<compile_context>
chip_gen: v7x
topology: tpu7x:2x2x1
jax: 0.10.2.dev20260603
libtpu: 0.0.44.dev20260713+nightly
codegen_flags: <defaults>
</compile_context>

<pallas_src>
import jax
import jax.numpy as jnp
from jax import lax
from jax.experimental import pallas as pl
from jax.experimental.pallas import tpu as pltpu
from jax.experimental.pallas import tpu_sc as plsc

T, D, F, E = 2048, 1024, 2048, 8
BLK = 512
R = 16
P = R * BLK
FC = 512

_NC = 2
_NS = 16
_NW = _NC * _NS


def _router_body(x_ref, wr_ref, slots_ref, te_ref, tv_ref, w_ref):
    x = x_ref[...]
    wr = wr_ref[...]
    logits = jnp.dot(x, wr, preferred_element_type=jnp.float32)
    m = jnp.max(logits, axis=1, keepdims=True)
    ex = jnp.exp(logits - m)
    p = ex / jnp.sum(ex, axis=1, keepdims=True)
    iota = lax.broadcasted_iota(jnp.int32, p.shape, 1)
    m1 = jnp.max(p, axis=1, keepdims=True)
    i1 = jnp.min(jnp.where(p == m1, iota, E), axis=1, keepdims=True)
    p2 = jnp.where(iota == i1, -jnp.inf, p)
    m2 = jnp.max(p2, axis=1, keepdims=True)
    i2 = jnp.min(jnp.where(p2 == m2, iota, E), axis=1, keepdims=True)
    t = jnp.exp(m2 - m1)
    w0 = 1.0 / (1.0 + t)
    w_ref[...] = jnp.where(iota == 0, w0, jnp.where(iota == 1, 1.0 - w0, 0.0))

    oh0 = i1 == iota
    oh1 = i2 == iota
    both = (oh0 | oh1).astype(jnp.float32)
    rows = lax.broadcasted_iota(jnp.int32, (T, T), 0)
    cols = lax.broadcasted_iota(jnp.int32, (T, T), 1)
    lower = (rows >= cols).astype(jnp.bfloat16)
    C = jnp.dot(lower, both.astype(jnp.bfloat16),
                preferred_element_type=jnp.float32)
    Cex = C - both
    counts = jnp.max(C, axis=0, keepdims=True)
    blocks = jnp.floor((counts + (BLK - 1)) * (1.0 / BLK))
    e8 = lax.broadcasted_iota(jnp.int32, (E, E), 0)
    f8 = lax.broadcasted_iota(jnp.int32, (E, E), 1)
    tri8 = (e8 <= f8).astype(jnp.float32)
    cumb = jnp.dot(blocks, tri8, preferred_element_type=jnp.float32)
    astart = (cumb - blocks) * BLK
    base = astart + Cex
    slot0 = jnp.sum(jnp.where(oh0, base, 0.0), axis=1).astype(jnp.int32)
    slot1 = jnp.sum(jnp.where(oh1, base, 0.0), axis=1).astype(jnp.int32)
    slots_ref[pl.ds(0, T)] = slot0
    slots_ref[pl.ds(T, T)] = slot1

    r16 = lax.broadcasted_iota(jnp.int32, (R, E), 0).astype(jnp.float32)
    te_raw = jnp.sum((r16 >= cumb).astype(jnp.float32), axis=1)
    te_raw = jnp.minimum(te_raw, float(E - 1))
    total = jnp.max(cumb)
    tv = (lax.broadcasted_iota(jnp.int32, (R, 1), 0)[:, 0]
          .astype(jnp.float32) < total)
    last_e = jnp.max(jnp.where(tv, te_raw, 0.0))
    te_ref[...] = jnp.where(tv, te_raw, last_e).astype(jnp.int32)
    tv_ref[...] = tv.astype(jnp.int32)


def _route(x2d, W_router):
    return pl.pallas_call(
        _router_body,
        out_shape=[jax.ShapeDtypeStruct((2 * T,), jnp.int32),
                   jax.ShapeDtypeStruct((R,), jnp.int32),
                   jax.ShapeDtypeStruct((R,), jnp.int32),
                   jax.ShapeDtypeStruct((T, E), jnp.float32)],
        compiler_params=pltpu.CompilerParams(
            vmem_limit_bytes=100 * 1024 * 1024),
    )(x2d, W_router)


def _scatter_body(x_hbm, slots_hbm, out_hbm, i0_v, i1_v, rows_v,
                  sem0, sem1):
    wid = lax.axis_index("s") * _NC + lax.axis_index("c")
    tpw = T // _NW
    base = wid * tpw
    pltpu.sync_copy(slots_hbm.at[pl.ds(base, tpw)], i0_v)
    pltpu.sync_copy(slots_hbm.at[pl.ds(T + base, tpw)], i1_v)
    pltpu.sync_copy(x_hbm.at[pl.ds(base, tpw)], rows_v)
    h0 = pltpu.async_copy(rows_v, out_hbm.at[i0_v], sem0)
    h1 = pltpu.async_copy(rows_v, out_hbm.at[i1_v], sem1)
    h0.wait()
    h1.wait()


def _sc_scatter(x2d, slots):
    tpw = T // _NW
    k = pl.kernel(
        _scatter_body,
        mesh=plsc.VectorSubcoreMesh(core_axis_name="c", subcore_axis_name="s"),
        out_type=jax.ShapeDtypeStruct((P, D), jnp.float32),
        scratch_types=[pltpu.VMEM((tpw,), jnp.int32),
                       pltpu.VMEM((tpw,), jnp.int32),
                       pltpu.VMEM((tpw, D), jnp.float32),
                       pltpu.SemaphoreType.DMA,
                       pltpu.SemaphoreType.DMA],
    )
    return k(x2d, slots)


_GCH = 32


def _make_gather(n_rows):
    rows_per_w = n_rows // _NW
    nch = rows_per_w // _GCH

    def body(src_hbm, idx_hbm, out_hbm, idx_v, b0, b1, g0, g1, s0, s1):
        wid = lax.axis_index("s") * _NC + lax.axis_index("c")
        base = wid * rows_per_w
        pltpu.sync_copy(idx_hbm.at[pl.ds(base, rows_per_w)], idx_v)
        bufs, gsems, ssems = (b0, b1), (g0, g1), (s0, s1)
        hg = [None] * nch
        hs = [None] * nch
        hg[0] = pltpu.async_copy(src_hbm.at[idx_v.at[pl.ds(0, _GCH)]], b0, g0)
        for c in range(nch):
            cur = c % 2
            hg[c].wait()
            if c + 1 < nch:
                if c - 1 >= 0:
                    hs[c - 1].wait()
                nxt = (c + 1) % 2
                hg[c + 1] = pltpu.async_copy(
                    src_hbm.at[idx_v.at[pl.ds((c + 1) * _GCH, _GCH)]],
                    bufs[nxt], gsems[nxt])
            hs[c] = pltpu.async_copy(
                bufs[cur], out_hbm.at[pl.ds(base + c * _GCH, _GCH)],
                ssems[cur])
        hs[nch - 1].wait()
        if nch >= 2:
            hs[nch - 2].wait()

    def run(src, idx):
        k = pl.kernel(
            body,
            mesh=plsc.VectorSubcoreMesh(core_axis_name="c",
                                        subcore_axis_name="s"),
            out_type=jax.ShapeDtypeStruct((n_rows, D), jnp.float32),
            scratch_types=[pltpu.VMEM((rows_per_w,), jnp.int32),
                           pltpu.VMEM((_GCH, D), jnp.float32),
                           pltpu.VMEM((_GCH, D), jnp.float32),
                           pltpu.SemaphoreType.DMA,
                           pltpu.SemaphoreType.DMA,
                           pltpu.SemaphoreType.DMA,
                           pltpu.SemaphoreType.DMA],
        )
        return k(src, idx)

    return run


def _gemm_body(te_ref, tv_ref, x_ref, wg_ref, wu_ref, wd_ref, y_ref):
    r = pl.program_id(0)
    valid = tv_ref[r] > 0

    @pl.when(valid)
    def _():
        xb = x_ref[...].astype(jnp.bfloat16)
        acc = jnp.zeros((BLK, D), jnp.float32)
        for fc in range(F // FC):
            wg = wg_ref[0, :, fc * FC:(fc + 1) * FC].astype(jnp.bfloat16)
            wu = wu_ref[0, :, fc * FC:(fc + 1) * FC].astype(jnp.bfloat16)
            g = jnp.dot(xb, wg, preferred_element_type=jnp.float32)
            u = jnp.dot(xb, wu, preferred_element_type=jnp.float32)
            h = ((g * jax.nn.sigmoid(g)) * u).astype(jnp.bfloat16)
            wd = wd_ref[0, fc * FC:(fc + 1) * FC, :].astype(jnp.bfloat16)
            acc = acc + jnp.dot(h, wd, preferred_element_type=jnp.float32)
        y_ref[...] = acc

    @pl.when(jnp.logical_not(valid))
    def _():
        y_ref[...] = jnp.zeros((BLK, D), jnp.float32)


def _grouped_gemm(tile_expert, tile_valid, xs, Wg, Wu, Wd):
    grid_spec = pltpu.PrefetchScalarGridSpec(
        num_scalar_prefetch=2,
        grid=(R,),
        in_specs=[
            pl.BlockSpec((BLK, D), lambda r, te, tv: (r, 0)),
            pl.BlockSpec((1, D, F), lambda r, te, tv: (te[r], 0, 0)),
            pl.BlockSpec((1, D, F), lambda r, te, tv: (te[r], 0, 0)),
            pl.BlockSpec((1, F, D), lambda r, te, tv: (te[r], 0, 0)),
        ],
        out_specs=pl.BlockSpec((BLK, D), lambda r, te, tv: (r, 0)),
    )
    return pl.pallas_call(
        _gemm_body,
        grid_spec=grid_spec,
        out_shape=jax.ShapeDtypeStruct((P, D), jnp.float32),
        compiler_params=pltpu.CompilerParams(
            vmem_limit_bytes=100 * 1024 * 1024),
    )(tile_expert, tile_valid, xs, Wg, Wu, Wd)


_AB = 256


def _add_body(a_ref, b_ref, w_ref, o_ref):
    w = w_ref[...]
    o_ref[...] = (a_ref[...] * w[:, 0:1] + b_ref[...] * w[:, 1:2])


def _tc_pair_add(ysg, w8):
    nb = T // _AB
    return pl.pallas_call(
        _add_body,
        grid=(nb,),
        in_specs=[pl.BlockSpec((_AB, D), lambda r: (r, 0)),
                  pl.BlockSpec((_AB, D), lambda r: (r + T // _AB, 0)),
                  pl.BlockSpec((_AB, E), lambda r: (r, 0))],
        out_specs=pl.BlockSpec((_AB, D), lambda r: (r, 0)),
        out_shape=jax.ShapeDtypeStruct((T, D), jnp.float32),
    )(ysg, ysg, w8)


def kernel(x, W_router, Wg, Wu, Wd):
    x2d = x.reshape(T, D)
    slots, tile_expert, tile_valid, w8 = _route(x2d, W_router)
    xs = _sc_scatter(x2d, slots)
    ys = _grouped_gemm(tile_expert, tile_valid, xs, Wg, Wu, Wd)
    ysg = _make_gather(2 * T)(ys, slots)
    out2d = _tc_pair_add(ysg, w8)
    return out2d.reshape(x.shape)

# --- scband reference (transcript-rebuilt; emitter-appended) ---
"""Pipeline reference for scband-mo-e-52415780880436 (READ-ONLY COPY).

The authoritative reference and input builder live on the scoring server;
editing this copy changes nothing except your own understanding.
"""

import jax, jax.numpy as jnp
import numpy as np

B, T, D, F, E = 1, 2048, 1024, 2048, 8
TOP_K = 2


def setup_inputs(seed: int = 0) -> dict:
    key = jax.random.key(seed)
    ks = jax.random.split(key, 5)
    x = jax.random.normal(ks[0], (B, T, D), dtype=jnp.float32)
    W_router = jax.random.normal(ks[1], (D, E), dtype=jnp.float32) * (D ** -0.5)
    Wg = jax.random.normal(ks[2], (E, D, F), dtype=jnp.float32) * (D ** -0.5)
    Wu = jax.random.normal(ks[3], (E, D, F), dtype=jnp.float32) * (D ** -0.5)
    Wd = jax.random.normal(ks[4], (E, F, D), dtype=jnp.float32) * (F ** -0.5)
    return {"x": x, "W_router": W_router, "Wg": Wg, "Wu": Wu, "Wd": Wd}


def reference(x, W_router, Wg, Wu, Wd):
    # Router: logits -> softmax -> top_k -> renormalize (softmax over selected)
    x = x.astype(jnp.float32)
    router_logits_BTE = jnp.einsum('BTD,DE->BTE', x, W_router)
    activated_gating_BTE = jax.nn.softmax(router_logits_BTE.astype(jnp.float32), axis=-1)
    weights_BTX, selected_experts_BTX = jax.lax.top_k(activated_gating_BTE, TOP_K)
    normalized_weights_BTX = jax.nn.softmax(weights_BTX.astype(jnp.float32), axis=-1)
    # Scatter top-k weights back to dense per-expert weights
    one_hot_BTXE = jax.nn.one_hot(selected_experts_BTX, E, dtype=jnp.float32)
    full_weights_BTE = jnp.sum(one_hot_BTXE * normalized_weights_BTX[..., None], axis=2)
    # Dense expert forward (gating/up proj, SiLU GLU, down proj), then weighted combine
    gate_BTEF = jnp.einsum('BTD,EDF->BTEF', x, Wg)
    up_BTEF = jnp.einsum('BTD,EDF->BTEF', x, Wu)
    hidden_BTEF = jax.nn.silu(gate_BTEF) * up_BTEF
    expert_out_BTED = jnp.einsum('BTEF,EFD->BTED', hidden_BTEF, Wd)
    out_BTD = jnp.einsum('BTED,BTE->BTD', expert_out_BTED, full_weights_BTE)
    return out_BTD

if __name__ == "__main__":
    import jax
    _d = setup_inputs()
    print(jax.jit(kernel)(*tuple(_d.values())))

</pallas_src>

<mosaic_0001>
#map = affine_map<(d0, d1) -> (0, 0)>
#map1 = affine_map<(d0, d1) -> (0)>
module attributes {stable_mosaic.version = 14 : i64} {
  func.func @_scatter_body(%arg0: i32, %arg1: i32, %arg2: memref<2048x1024xf32, #tpu.memory_space<hbm>>, %arg3: memref<4096xi32, #tpu.memory_space<hbm>>, %arg4: memref<8192x1024xf32, #tpu.memory_space<hbm>>, %arg5: memref<64xi32, #tpu.memory_space<vmem>>, %arg6: memref<64xi32, #tpu.memory_space<vmem>>, %arg7: memref<64x1024xf32, #tpu.memory_space<vmem>>, %arg8: memref<!tpu.dma_semaphore, #tpu.memory_space<semaphore_mem>>, %arg9: memref<!tpu.dma_semaphore, #tpu.memory_space<semaphore_mem>>) attributes {dimension_semantics = [#tpu.dimension_semantics<core_parallel>, #tpu.dimension_semantics<subcore_parallel>], iteration_bounds = array<i64: 2, 16>, scalar_prefetch = 0 : i64, scratch_operands = 5 : i64, tpu.core_type = #tpu.core_type<sc_vector_subcore>, window_params = [{transform_indices = #map}, {transform_indices = #map1}, {transform_indices = #map}]} {
    %mul3A = arith.constant 2 : i32
    %mul3A_0 = arith.muli %arg1, %mul3A : i32
    %add3A = arith.addi %mul3A_0, %arg0 : i32
    %mul3A_1 = arith.constant 64 : i32
    %mul3A_2 = arith.muli %add3A, %mul3A_1 : i32
    "tpu.region"() ({
      %run_scoped3A = tpu.sem_alloc : memref<!tpu.dma_semaphore, #tpu.memory_space<semaphore_mem>>
      %dma_start3A_15 = tpu.memref_slice %arg3[%mul3A_2] : memref<4096xi32, #tpu.memory_space<hbm>> -> memref<64xi32, #tpu.memory_space<hbm>>
      %dma_start3A_16 = tpu.memref_slice %arg3[%mul3A_2] : memref<4096xi32, #tpu.memory_space<hbm>> -> memref<64xi32, #tpu.memory_space<hbm>>
      tpu.enqueue_dma source(%dma_start3A_16 : memref<64xi32, #tpu.memory_space<hbm>>) target(%arg5 : memref<64xi32, #tpu.memory_space<vmem>>) target_semaphore(%run_scoped3A : memref<!tpu.dma_semaphore, #tpu.memory_space<semaphore_mem>>)
      %dma_wait3A_17 = tpu.memref_slice %arg3[%mul3A_2] : memref<4096xi32, #tpu.memory_space<hbm>> -> memref<64xi32, #tpu.memory_space<hbm>>
      %dma_wait3A_18 = tpu.memref_slice %arg3[%mul3A_2] : memref<4096xi32, #tpu.memory_space<hbm>> -> memref<64xi32, #tpu.memory_space<hbm>>
      tpu.wait_dma2 semaphore(%run_scoped3A : memref<!tpu.dma_semaphore, #tpu.memory_space<semaphore_mem>>) src(%dma_wait3A_18 : memref<64xi32, #tpu.memory_space<hbm>>) dst(%arg5 : memref<64xi32, #tpu.memory_space<vmem>>)
      tpu.yield
    }) : () -> ()
    %add3A_3 = arith.constant 2048 : i32
    %add3A_4 = arith.addi %add3A_3, %mul3A_2 : i32
    "tpu.region"() ({
      %run_scoped3A = tpu.sem_alloc : memref<!tpu.dma_semaphore, #tpu.memory_space<semaphore_mem>>
      %dma_start3A_15 = tpu.memref_slice %arg3[%add3A_4] : memref<4096xi32, #tpu.memory_space<hbm>> -> memref<64xi32, #tpu.memory_space<hbm>>
      %dma_start3A_16 = tpu.memref_slice %arg3[%add3A_4] : memref<4096xi32, #tpu.memory_space<hbm>> -> memref<64xi32, #tpu.memory_space<hbm>>
      tpu.enqueue_dma source(%dma_start3A_16 : memref<64xi32, #tpu.memory_space<hbm>>) target(%arg6 : memref<64xi32, #tpu.memory_space<vmem>>) target_semaphore(%run_scoped3A : memref<!tpu.dma_semaphore, #tpu.memory_space<semaphore_mem>>)
      %dma_wait3A_17 = tpu.memref_slice %arg3[%add3A_4] : memref<4096xi32, #tpu.memory_space<hbm>> -> memref<64xi32, #tpu.memory_space<hbm>>
      %dma_wait3A_18 = tpu.memref_slice %arg3[%add3A_4] : memref<4096xi32, #tpu.memory_space<hbm>> -> memref<64xi32, #tpu.memory_space<hbm>>
      tpu.wait_dma2 semaphore(%run_scoped3A : memref<!tpu.dma_semaphore, #tpu.memory_space<semaphore_mem>>) src(%dma_wait3A_18 : memref<64xi32, #tpu.memory_space<hbm>>) dst(%arg6 : memref<64xi32, #tpu.memory_space<vmem>>)
      tpu.yield
    }) : () -> ()
    "tpu.region"() ({
      %run_scoped3A = tpu.sem_alloc : memref<!tpu.dma_semaphore, #tpu.memory_space<semaphore_mem>>
      %dma_start3A_15 = arith.constant 0 : i32
      %dma_start3A_16 = tpu.memref_slice %arg2[%mul3A_2, %dma_start3A_15] : memref<2048x1024xf32, #tpu.memory_space<hbm>> -> memref<64x1024xf32, #tpu.memory_space<hbm>>
      %dma_start3A_17 = arith.constant 0 : i32
      %dma_start3A_18 = tpu.memref_slice %arg2[%mul3A_2, %dma_start3A_17] : memref<2048x1024xf32, #tpu.memory_space<hbm>> -> memref<64x1024xf32, #tpu.memory_space<hbm>>
      tpu.enqueue_dma source(%dma_start3A_18 : memref<64x1024xf32, #tpu.memory_space<hbm>>) target(%arg7 : memref<64x1024xf32, #tpu.memory_space<vmem>>) target_semaphore(%run_scoped3A : memref<!tpu.dma_semaphore, #tpu.memory_space<semaphore_mem>>)
      %dma_wait3A_19 = arith.constant 0 : i32
      %dma_wait3A_20 = tpu.memref_slice %arg2[%mul3A_2, %dma_wait3A_19] : memref<2048x1024xf32, #tpu.memory_space<hbm>> -> memref<64x1024xf32, #tpu.memory_space<hbm>>
      %dma_wait3A_21 = arith.constant 0 : i32
      %dma_wait3A_22 = tpu.memref_slice %arg2[%mul3A_2, %dma_wait3A_21] : memref<2048x1024xf32, #tpu.memory_space<hbm>> -> memref<64x1024xf32, #tpu.memory_space<hbm>>
      tpu.wait_dma2 semaphore(%run_scoped3A : memref<!tpu.dma_semaphore, #tpu.memory_space<semaphore_mem>>) src(%dma_wait3A_22 : memref<64x1024xf32, #tpu.memory_space<hbm>>) dst(%arg7 : memref<64x1024xf32, #tpu.memory_space<vmem>>)
      tpu.yield
    }) : () -> ()
    %dma_start3A = arith.constant 0 : i32
    %dma_start3A_5 = arith.constant 0 : i32
    %dma_start3A_6 = tpu.memref_slice %arg4[%dma_start3A, %dma_start3A_5] : memref<8192x1024xf32, #tpu.memory_space<hbm>> -> memref<8192x1024xf32, #tpu.memory_space<hbm>>
    tpu.enqueue_indirect_dma source(%arg7 : memref<64x1024xf32, #tpu.memory_space<vmem>>) target(%dma_start3A_6 : memref<8192x1024xf32, #tpu.memory_space<hbm>>) offsets(%arg5 : memref<64xi32, #tpu.memory_space<vmem>>) semaphore(%arg8 : memref<!tpu.dma_semaphore, #tpu.memory_space<semaphore_mem>>)
    %dma_start3A_7 = arith.constant 0 : i32
    %dma_start3A_8 = arith.constant 0 : i32
    %dma_start3A_9 = tpu.memref_slice %arg4[%dma_start3A_7, %dma_start3A_8] : memref<8192x1024xf32, #tpu.memory_space<hbm>> -> memref<8192x1024xf32, #tpu.memory_space<hbm>>
    tpu.enqueue_indirect_dma source(%arg7 : memref<64x1024xf32, #tpu.memory_space<vmem>>) target(%dma_start3A_9 : memref<8192x1024xf32, #tpu.memory_space<hbm>>) offsets(%arg6 : memref<64xi32, #tpu.memory_space<vmem>>) semaphore(%arg9 : memref<!tpu.dma_semaphore, #tpu.memory_space<semaphore_mem>>)
    %dma_wait3A = arith.constant 0 : i32
    %dma_wait3A_10 = arith.constant 0 : i32
    %dma_wait3A_11 = tpu.memref_slice %arg4[%dma_wait3A, %dma_wait3A_10] : memref<8192x1024xf32, #tpu.memory_space<hbm>> -> memref<8192x1024xf32, #tpu.memory_space<hbm>>
    tpu.wait_indirect_dma semaphore(%arg8 : memref<!tpu.dma_semaphore, #tpu.memory_space<semaphore_mem>>) src(%arg7 : memref<64x1024xf32, #tpu.memory_space<vmem>>) dst(%dma_wait3A_11 : memref<8192x1024xf32, #tpu.memory_space<hbm>>)
    %dma_wait3A_12 = arith.constant 0 : i32
    %dma_wait3A_13 = arith.constant 0 : i32
    %dma_wait3A_14 = tpu.memref_slice %arg4[%dma_wait3A_12, %dma_wait3A_13] : memref<8192x1024xf32, #tpu.memory_space<hbm>> -> memref<8192x1024xf32, #tpu.memory_space<hbm>>
    tpu.wait_indirect_dma semaphore(%arg9 : memref<!tpu.dma_semaphore, #tpu.memory_space<semaphore_mem>>) src(%arg7 : memref<64x1024xf32, #tpu.memory_space<vmem>>) dst(%dma_wait3A_14 : memref<8192x1024xf32, #tpu.memory_space<hbm>>)
    return
  }
}

#map = affine_map<(d0, d1) -> (0, 0)>
#map1 = affine_map<(d0, d1) -> (0)>
module attributes {stable_mosaic.version = 14 : i64} {
  func.func @body(%arg0: i32, %arg1: i32, %arg2: memref<8192x1024xf32, #tpu.memory_space<hbm>>, %arg3: memref<4096xi32, #tpu.memory_space<hbm>>, %arg4: memref<4096x1024xf32, #tpu.memory_space<hbm>>, %arg5: memref<128xi32, #tpu.memory_space<vmem>>, %arg6: memref<32x1024xf32, #tpu.memory_space<vmem>>, %arg7: memref<32x1024xf32, #tpu.memory_space<vmem>>, %arg8: memref<!tpu.dma_semaphore, #tpu.memory_space<semaphore_mem>>, %arg9: memref<!tpu.dma_semaphore, #tpu.memory_space<semaphore_mem>>, %arg10: memref<!tpu.dma_semaphore, #tpu.memory_space<semaphore_mem>>, %arg11: memref<!tpu.dma_semaphore, #tpu.memory_space<semaphore_mem>>) attributes {dimension_semantics = [#tpu.dimension_semantics<core_parallel>, #tpu.dimension_semantics<subcore_parallel>], iteration_bounds = array<i64: 2, 16>, scalar_prefetch = 0 : i64, scratch_operands = 7 : i64, tpu.core_type = #tpu.core_type<sc_vector_subcore>, window_params = [{transform_indices = #map}, {transform_indices = #map1}, {transform_indices = #map}]} {
    %mul3A = arith.constant 2 : i32
    %mul3A_0 = arith.muli %arg1, %mul3A : i32
    %add3A = arith.addi %mul3A_0, %arg0 : i32
    %mul3A_1 = arith.constant 128 : i32
    %mul3A_2 = arith.muli %add3A, %mul3A_1 : i32
    "tpu.region"() ({
      %run_scoped3A = tpu.sem_alloc : memref<!tpu.dma_semaphore, #tpu.memory_space<semaphore_mem>>
      %dma_start3A_81 = tpu.memref_slice %arg3[%mul3A_2] : memref<4096xi32, #tpu.memory_space<hbm>> -> memref<128xi32, #tpu.memory_space<hbm>>
      %dma_start3A_82 = tpu.memref_slice %arg3[%mul3A_2] : memref<4096xi32, #tpu.memory_space<hbm>> -> memref<128xi32, #tpu.memory_space<hbm>>
      tpu.enqueue_dma source(%dma_start3A_82 : memref<128xi32, #tpu.memory_space<hbm>>) target(%arg5 : memref<128xi32, #tpu.memory_space<vmem>>) target_semaphore(%run_scoped3A : memref<!tpu.dma_semaphore, #tpu.memory_space<semaphore_mem>>)
      %dma_wait3A_83 = tpu.memref_slice %arg3[%mul3A_2] : memref<4096xi32, #tpu.memory_space<hbm>> -> memref<128xi32, #tpu.memory_space<hbm>>
      %dma_wait3A_84 = tpu.memref_slice %arg3[%mul3A_2] : memref<4096xi32, #tpu.memory_space<hbm>> -> memref<128xi32, #tpu.memory_space<hbm>>
      tpu.wait_dma2 semaphore(%run_scoped3A : memref<!tpu.dma_semaphore, #tpu.memory_space<semaphore_mem>>) src(%dma_wait3A_84 : memref<128xi32, #tpu.memory_space<hbm>>) dst(%arg5 : memref<128xi32, #tpu.memory_space<vmem>>)
      tpu.yield
    }) : () -> ()
    %dma_start3A = arith.constant 0 : i32
    %dma_start3A_3 = tpu.memref_slice %arg5[%dma_start3A] : memref<128xi32, #tpu.memory_space<vmem>> -> memref<32xi32, #tpu.memory_space<vmem>>
    %dma_start3A_4 = arith.constant 0 : i32
    %dma_start3A_5 = arith.constant 0 : i32
    %dma_start3A_6 = tpu.memref_slice %arg2[%dma_start3A_4, %dma_start3A_5] : memref<8192x1024xf32, #tpu.memory_space<hbm>> -> memref<8192x1024xf32, #tpu.memory_space<hbm>>
    tpu.enqueue_indirect_dma source(%dma_start3A_6 : memref<8192x1024xf32, #tpu.memory_space<hbm>>) target(%arg6 : memref<32x1024xf32, #tpu.memory_space<vmem>>) offsets(%dma_start3A_3 : memref<32xi32, #tpu.memory_space<vmem>>) semaphore(%arg8 : memref<!tpu.dma_semaphore, #tpu.memory_space<semaphore_mem>>)
    %dma_wait3A = arith.constant 0 : i32
    %dma_wait3A_7 = tpu.memref_slice %arg5[%dma_wait3A] : memref<128xi32, #tpu.memory_space<vmem>> -> memref<32xi32, #tpu.memory_space<vmem>>
    %dma_wait3A_8 = arith.constant 0 : i32
    %dma_wait3A_9 = arith.constant 0 : i32
    %dma_wait3A_10 = tpu.memref_slice %arg2[%dma_wait3A_8, %dma_wait3A_9] : memref<8192x1024xf32, #tpu.memory_space<hbm>> -> memref<8192x1024xf32, #tpu.memory_space<hbm>>
    tpu.wait_indirect_dma semaphore(%arg8 : memref<!tpu.dma_semaphore, #tpu.memory_space<semaphore_mem>>) src(%dma_wait3A_10 : memref<8192x1024xf32, #tpu.memory_space<hbm>>) dst(%arg6 : memref<32x1024xf32, #tpu.memory_space<vmem>>)
    %dma_start3A_11 = arith.constant 32 : i32
    %dma_start3A_12 = tpu.memref_slice %arg5[%dma_start3A_11] : memref<128xi32, #tpu.memory_space<vmem>> -> memref<32xi32, #tpu.memory_space<vmem>>
    %dma_start3A_13 = arith.constant 0 : i32
    %dma_start3A_14 = arith.constant 0 : i32
    %dma_start3A_15 = tpu.memref_slice %arg2[%dma_start3A_13, %dma_start3A_14] : memref<8192x1024xf32, #tpu.memory_space<hbm>> -> memref<8192x1024xf32, #tpu.memory_space<hbm>>
    tpu.enqueue_indirect_dma source(%dma_start3A_15 : memref<8192x1024xf32, #tpu.memory_space<hbm>>) target(%arg7 : memref<32x1024xf32, #tpu.memory_space<vmem>>) offsets(%dma_start3A_12 : memref<32xi32, #tpu.memory_space<vmem>>) semaphore(%arg9 : memref<!tpu.dma_semaphore, #tpu.memory_space<semaphore_mem>>)
    %add3A_16 = arith.constant 0 : i32
    %add3A_17 = arith.addi %mul3A_2, %add3A_16 : i32
    %dma_start3A_18 = arith.constant 0 : i32
    %dma_start3A_19 = tpu.memref_slice %arg4[%add3A_17, %dma_start3A_18] : memref<4096x1024xf32, #tpu.memory_space<hbm>> -> memref<32x1024xf32, #tpu.memory_space<hbm>>
    %dma_start3A_20 = arith.constant 0 : i32
    %dma_start3A_21 = tpu.memref_slice %arg4[%add3A_17, %dma_start3A_20] : memref<4096x1024xf32, #tpu.memory_space<hbm>> -> memref<32x1024xf32, #tpu.memory_space<hbm>>
    tpu.enqueue_dma source(%arg6 : memref<32x1024xf32, #tpu.memory_space<vmem>>) target(%dma_start3A_21 : memref<32x1024xf32, #tpu.memory_space<hbm>>) target_semaphore(%arg10 : memref<!tpu.dma_semaphore, #tpu.memory_space<semaphore_mem>>)
    %dma_wait3A_22 = arith.constant 32 : i32
    %dma_wait3A_23 = tpu.memref_slice %arg5[%dma_wait3A_22] : memref<128xi32, #tpu.memory_space<vmem>> -> memref<32xi32, #tpu.memory_space<vmem>>
    %dma_wait3A_24 = arith.constant 0 : i32
    %dma_wait3A_25 = arith.constant 0 : i32
    %dma_wait3A_26 = tpu.memref_slice %arg2[%dma_wait3A_24, %dma_wait3A_25] : memref<8192x1024xf32, #tpu.memory_space<hbm>> -> memref<8192x1024xf32, #tpu.memory_space<hbm>>
    tpu.wait_indirect_dma semaphore(%arg9 : memref<!tpu.dma_semaphore, #tpu.memory_space<semaphore_mem>>) src(%dma_wait3A_26 : memref<8192x1024xf32, #tpu.memory_space<hbm>>) dst(%arg7 : memref<32x1024xf32, #tpu.memory_space<vmem>>)
    %dma_wait3A_27 = arith.constant 0 : i32
    %dma_wait3A_28 = tpu.memref_slice %arg4[%add3A_17, %dma_wait3A_27] : memref<4096x1024xf32, #tpu.memory_space<hbm>> -> memref<32x1024xf32, #tpu.memory_space<hbm>>
    %dma_wait3A_29 = arith.constant 0 : i32
    %dma_wait3A_30 = tpu.memref_slice %arg4[%add3A_17, %dma_wait3A_29] : memref<4096x1024xf32, #tpu.memory_space<hbm>> -> memref<32x1024xf32, #tpu.memory_space<hbm>>
    tpu.wait_dma2 semaphore(%arg10 : memref<!tpu.dma_semaphore, #tpu.memory_space<semaphore_mem>>) src(%arg6 : memref<32x1024xf32, #tpu.memory_space<vmem>>) dst(%dma_wait3A_30 : memref<32x1024xf32, #tpu.memory_space<hbm>>)
    %dma_start3A_31 = arith.constant 64 : i32
    %dma_start3A_32 = tpu.memref_slice %arg5[%dma_start3A_31] : memref<128xi32, #tpu.memory_space<vmem>> -> memref<32xi32, #tpu.memory_space<vmem>>
    %dma_start3A_33 = arith.constant 0 : i32
    %dma_start3A_34 = arith.constant 0 : i32
    %dma_start3A_35 = tpu.memref_slice %arg2[%dma_start3A_33, %dma_start3A_34] : memref<8192x1024xf32, #tpu.memory_space<hbm>> -> memref<8192x1024xf32, #tpu.memory_space<hbm>>
    tpu.enqueue_indirect_dma source(%dma_start3A_35 : memref<8192x1024xf32, #tpu.memory_space<hbm>>) target(%arg6 : memref<32x1024xf32, #tpu.memory_space<vmem>>) offsets(%dma_start3A_32 : memref<32xi32, #tpu.memory_space<vmem>>) semaphore(%arg8 : memref<!tpu.dma_semaphore, #tpu.memory_space<semaphore_mem>>)
    %add3A_36 = arith.constant 32 : i32
    %add3A_37 = arith.addi %mul3A_2, %add3A_36 : i32
    %dma_start3A_38 = arith.constant 0 : i32
    %dma_start3A_39 = tpu.memref_slice %arg4[%add3A_37, %dma_start3A_38] : memref<4096x1024xf32, #tpu.memory_space<hbm>> -> memref<32x1024xf32, #tpu.memory_space<hbm>>
    %dma_start3A_40 = arith.constant 0 : i32
    %dma_start3A_41 = tpu.memref_slice %arg4[%add3A_37, %dma_start3A_40] : memref<4096x1024xf32, #tpu.memory_space<hbm>> -> memref<32x1024xf32, #tpu.memory_space<hbm>>
    tpu.enqueue_dma source(%arg7 : memref<32x1024xf32, #tpu.memory_space<vmem>>) target(%dma_start3A_41 : memref<32x1024xf32, #tpu.memory_space<hbm>>) target_semaphore(%arg11 : memref<!tpu.dma_semaphore, #tpu.memory_space<semaphore_mem>>)
    %dma_wait3A_42 = arith.constant 64 : i32
    %dma_wait3A_43 = tpu.memref_slice %arg5[%dma_wait3A_42] : memref<128xi32, #tpu.memory_space<vmem>> -> memref<32xi32, #tpu.memory_space<vmem>>
    %dma_wait3A_44 = arith.constant 0 : i32
    %dma_wait3A_45 = arith.constant 0 : i32
    %dma_wait3A_46 = tpu.memref_slice %arg2[%dma_wait3A_44, %dma_wait3A_45] : memref<8192x1024xf32, #tpu.memory_space<hbm>> -> memref<8192x1024xf32, #tpu.memory_space<hbm>>
    tpu.wait_indirect_dma semaphore(%arg8 : memref<!tpu.dma_semaphore, #tpu.memory_space<semaphore_mem>>) src(%dma_wait3A_46 : memref<8192x1024xf32, #tpu.memory_space<hbm>>) dst(%arg6 : memref<32x1024xf32, #tpu.memory_space<vmem>>)
    %dma_wait3A_47 = arith.constant 0 : i32
    %dma_wait3A_48 = tpu.memref_slice %arg4[%add3A_37, %dma_wait3A_47] : memref<4096x1024xf32, #tpu.memory_space<hbm>> -> memref<32x1024xf32, #tpu.memory_space<hbm>>
    %dma_wait3A_49 = arith.constant 0 : i32
    %dma_wait3A_50 = tpu.memref_slice %arg4[%add3A_37, %dma_wait3A_49] : memref<4096x1024xf32, #tpu.memory_space<hbm>> -> memref<32x1024xf32, #tpu.memory_space<hbm>>
    tpu.wait_dma2 semaphore(%arg11 : memref<!tpu.dma_semaphore, #tpu.memory_space<semaphore_mem>>) src(%arg7 : memref<32x1024xf32, #tpu.memory_space<vmem>>) dst(%dma_wait3A_50 : memref<32x1024xf32, #tpu.memory_space<hbm>>)
    %dma_start3A_51 = arith.constant 96 : i32
    %dma_start3A_52 = tpu.memref_slice %arg5[%dma_start3A_51] : memref<128xi32, #tpu.memory_space<vmem>> -> memref<32xi32, #tpu.memory_space<vmem>>
    %dma_start3A_53 = arith.constant 0 : i32
    %dma_start3A_54 = arith.constant 0 : i32
    %dma_start3A_55 = tpu.memref_slice %arg2[%dma_start3A_53, %dma_start3A_54] : memref<8192x1024xf32, #tpu.memory_space<hbm>> -> memref<8192x1024xf32, #tpu.memory_space<hbm>>
    tpu.enqueue_indirect_dma source(%dma_start3A_55 : memref<8192x1024xf32, #tpu.memory_space<hbm>>) target(%arg7 : memref<32x1024xf32, #tpu.memory_space<vmem>>) offsets(%dma_start3A_52 : memref<32xi32, #tpu.memory_space<vmem>>) semaphore(%arg9 : memref<!tpu.dma_semaphore, #tpu.memory_space<semaphore_mem>>)
    %add3A_56 = arith.constant 64 : i32
    %add3A_57 = arith.addi %mul3A_2, %add3A_56 : i32
    %dma_start3A_58 = arith.constant 0 : i32
    %dma_start3A_59 = tpu.memref_slice %arg4[%add3A_57, %dma_start3A_58] : memref<4096x1024xf32, #tpu.memory_space<hbm>> -> memref<32x1024xf32, #tpu.memory_space<hbm>>
    %dma_start3A_60 = arith.constant 0 : i32
    %dma_start3A_61 = tpu.memref_slice %arg4[%add3A_57, %dma_start3A_60] : memref<4096x1024xf32, #tpu.memory_space<hbm>> -> memref<32x1024xf32, #tpu.memory_space<hbm>>
    tpu.enqueue_dma source(%arg6 : memref<32x1024xf32, #tpu.memory_space<vmem>>) target(%dma_start3A_61 : memref<32x1024xf32, #tpu.memory_space<hbm>>) target_semaphore(%arg10 : memref<!tpu.dma_semaphore, #tpu.memory_space<semaphore_mem>>)
    %dma_wait3A_62 = arith.constant 96 : i32
    %dma_wait3A_63 = tpu.memref_slice %arg5[%dma_wait3A_62] : memref<128xi32, #tpu.memory_space<vmem>> -> memref<32xi32, #tpu.memory_space<vmem>>
    %dma_wait3A_64 = arith.constant 0 : i32
    %dma_wait3A_65 = arith.constant 0 : i32
    %dma_wait3A_66 = tpu.memref_slice %arg2[%dma_wait3A_64, %dma_wait3A_65] : memref<8192x1024xf32, #tpu.memory_space<hbm>> -> memref<8192x1024xf32, #tpu.memory_space<hbm>>
    tpu.wait_indirect_dma semaphore(%arg9 : memref<!tpu.dma_semaphore, #tpu.memory_space<semaphore_mem>>) src(%dma_wait3A_66 : memref<8192x1024xf32, #tpu.memory_space<hbm>>) dst(%arg7 : memref<32x1024xf32, #tpu.memory_space<vmem>>)
    %add3A_67 = arith.constant 96 : i32
    %add3A_68 = arith.addi %mul3A_2, %add3A_67 : i32
    %dma_start3A_69 = arith.constant 0 : i32
    %dma_start3A_70 = tpu.memref_slice %arg4[%add3A_68, %dma_start3A_69] : memref<4096x1024xf32, #tpu.memory_space<hbm>> -> memref<32x1024xf32, #tpu.memory_space<hbm>>
    %dma_start3A_71 = arith.constant 0 : i32
    %dma_start3A_72 = tpu.memref_slice %arg4[%add3A_68, %dma_start3A_71] : memref<4096x1024xf32, #tpu.memory_space<hbm>> -> memref<32x1024xf32, #tpu.memory_space<hbm>>
    tpu.enqueue_dma source(%arg7 : memref<32x1024xf32, #tpu.memory_space<vmem>>) target(%dma_start3A_72 : memref<32x1024xf32, #tpu.memory_space<hbm>>) target_semaphore(%arg11 : memref<!tpu.dma_semaphore, #tpu.memory_space<semaphore_mem>>)
    %dma_wait3A_73 = arith.constant 0 : i32
    %dma_wait3A_74 = tpu.memref_slice %arg4[%add3A_68, %dma_wait3A_73] : memref<4096x1024xf32, #tpu.memory_space<hbm>> -> memref<32x1024xf32, #tpu.memory_space<hbm>>
    %dma_wait3A_75 = arith.constant 0 : i32
    %dma_wait3A_76 = tpu.memref_slice %arg4[%add3A_68, %dma_wait3A_75] : memref<4096x1024xf32, #tpu.memory_space<hbm>> -> memref<32x1024xf32, #tpu.memory_space<hbm>>
    tpu.wait_dma2 semaphore(%arg11 : memref<!tpu.dma_semaphore, #tpu.memory_space<semaphore_mem>>) src(%arg7 : memref<32x1024xf32, #tpu.memory_space<vmem>>) dst(%dma_wait3A_76 : memref<32x1024xf32, #tpu.memory_space<hbm>>)
    %dma_wait3A_77 = arith.constant 0 : i32
    %dma_wait3A_78 = tpu.memref_slice %arg4[%add3A_57, %dma_wait3A_77] : memref<4096x1024xf32, #tpu.memory_space<hbm>> -> memref<32x1024xf32, #tpu.memory_space<hbm>>
    %dma_wait3A_79 = arith.constant 0 : i32
    %dma_wait3A_80 = tpu.memref_slice %arg4[%add3A_57, %dma_wait3A_79] : memref<4096x1024xf32, #tpu.memory_space<hbm>> -> memref<32x1024xf32, #tpu.memory_space<hbm>>
    tpu.wait_dma2 semaphore(%arg10 : memref<!tpu.dma_semaphore, #tpu.memory_space<semaphore_mem>>) src(%arg6 : memref<32x1024xf32, #tpu.memory_space<vmem>>) dst(%dma_wait3A_80 : memref<32x1024xf32, #tpu.memory_space<hbm>>)
    return
  }
}

module attributes {stable_mosaic.version = 14 : i64} {
  func.func @_gemm_body(%arg0: i32, %arg1: memref<16xi32, #tpu.memory_space<smem>>, %arg2: memref<16xi32, #tpu.memory_space<smem>>, %arg3: memref<512x1024xf32, #tpu.memory_space<vmem>>, %arg4: memref<1x1024x2048xf32, #tpu.memory_space<vmem>>, %arg5: memref<1x1024x2048xf32, #tpu.memory_space<vmem>>, %arg6: memref<1x2048x1024xf32, #tpu.memory_space<vmem>>, %arg7: memref<512x1024xf32, #tpu.memory_space<vmem>>) attributes {dimension_semantics = [#tpu.dimension_semantics<arbitrary>], iteration_bounds = array<i64: 16>, scalar_prefetch = 2 : i64, scratch_operands = 0 : i64, tpu.core_type = #tpu.core_type<tc>, window_params = [{transform_indices = @transform_0, window_bounds = array<i64: 512, 1024>}, {transform_indices = @transform_1, window_bounds = array<i64: 1, 1024, 2048>}, {transform_indices = @transform_2, window_bounds = array<i64: 1, 1024, 2048>}, {transform_indices = @transform_3, window_bounds = array<i64: 1, 2048, 1024>}, {transform_indices = @transform_4, window_bounds = array<i64: 512, 1024>}]} {
    %get3A = arith.index_cast %arg0 : i32 to index
    %get3A_0 = memref.load %arg2[%get3A] : memref<16xi32, #tpu.memory_space<smem>>
    %gt3A = arith.constant 0 : i32
    %gt3A_1 = arith.cmpi sgt, %get3A_0, %gt3A : i32
    %convert_element_type3A = arith.extui %gt3A_1 : i1 to i32
    %cond3A = arith.constant 0 : i32
    %cond3A_2 = arith.cmpi ne, %convert_element_type3A, %cond3A : i32
    scf.if %cond3A_2 {
      %get3A_7 = arith.constant 0 : index
      %get3A_8 = arith.constant 0 : index
      %get3A_9 = vector.load %arg3[%get3A_7, %get3A_8] : memref<512x1024xf32, #tpu.memory_space<vmem>>, vector<512x1024xf32>
      %convert_element_type3A_10 = arith.truncf %get3A_9 : vector<512x1024xf32> to vector<512x1024xbf16>
      %broadcast_in_dim3A = arith.constant 0.000000e+00 : f32
      %broadcast_in_dim3A_11 = vector.broadcast %broadcast_in_dim3A : f32 to vector<512x1024xf32>
      %get3A_12 = arith.constant 0 : index
      %get3A_13 = arith.constant 0 : index
      %get3A_14 = arith.constant 0 : index
      %get3A_15 = vector.load %arg4[%get3A_12, %get3A_13, %get3A_14] : memref<1x1024x2048xf32, #tpu.memory_space<vmem>>, vector<1x1024x512xf32>
      %get3A_16 = vector.shape_cast %get3A_15 : vector<1x1024x512xf32> to vector<1024x512xf32>
      %convert_element_type3A_17 = arith.truncf %get3A_16 : vector<1024x512xf32> to vector<1024x512xbf16>
      %get3A_18 = arith.constant 0 : index
      %get3A_19 = arith.constant 0 : index
      %get3A_20 = arith.constant 0 : index
      %get3A_21 = vector.load %arg5[%get3A_18, %get3A_19, %get3A_20] : memref<1x1024x2048xf32, #tpu.memory_space<vmem>>, vector<1x1024x512xf32>
      %get3A_22 = vector.shape_cast %get3A_21 : vector<1x1024x512xf32> to vector<1024x512xf32>
      %convert_element_type3A_23 = arith.truncf %get3A_22 : vector<1024x512xf32> to vector<1024x512xbf16>
      %dot_general3A = arith.constant dense<0.000000e+00> : vector<512x512xf32>
      %dot_general3A_24 = tpu.matmul %convert_element_type3A_10, %convert_element_type3A_17, %dot_general3A {dimension_numbers = #tpu.dot_dimension_numbers<[1], [0], [0], [1], [0, 0, 1, 1], [], []>, transpose_lhs_hint = false} : vector<512x1024xbf16>, vector<1024x512xbf16>, vector<512x512xf32> -> vector<512x512xf32>
      %dot_general3A_25 = arith.constant dense<0.000000e+00> : vector<512x512xf32>
      %dot_general3A_26 = tpu.matmul %convert_element_type3A_10, %convert_element_type3A_23, %dot_general3A_25 {dimension_numbers = #tpu.dot_dimension_numbers<[1], [0], [0], [1], [0, 0, 1, 1], [], []>, transpose_lhs_hint = false} : vector<512x1024xbf16>, vector<1024x512xbf16>, vector<512x512xf32> -> vector<512x512xf32>
      %logistic3A = arith.negf %dot_general3A_24 : vector<512x512xf32>
      %logistic3A_27 = math.exp %logistic3A : vector<512x512xf32>
      %logistic3A_28 = arith.constant 1.000000e+00 : f32
      %logistic3A_29 = vector.broadcast %logistic3A_28 : f32 to vector<512x512xf32>
      %logistic3A_30 = arith.addf %logistic3A_29, %logistic3A_27 : vector<512x512xf32>
      %logistic3A_31 = arith.divf %logistic3A_29, %logistic3A_30 : vector<512x512xf32>
      %mul3A = arith.mulf %dot_general3A_24, %logistic3A_31 : vector<512x512xf32>
      %mul3A_32 = arith.mulf %mul3A, %dot_general3A_26 : vector<512x512xf32>
      %convert_element_type3A_33 = arith.truncf %mul3A_32 : vector<512x512xf32> to vector<512x512xbf16>
      %get3A_34 = arith.constant 0 : index
      %get3A_35 = arith.constant 0 : index
      %get3A_36 = arith.constant 0 : index
      %get3A_37 = vector.load %arg6[%get3A_34, %get3A_35, %get3A_36] : memref<1x2048x1024xf32, #tpu.memory_space<vmem>>, vector<1x512x1024xf32>
      %get3A_38 = vector.shape_cast %get3A_37 : vector<1x512x1024xf32> to vector<512x1024xf32>
      %convert_element_type3A_39 = arith.truncf %get3A_38 : vector<512x1024xf32> to vector<512x1024xbf16>
      %dot_general3A_40 = arith.constant dense<0.000000e+00> : vector<512x1024xf32>
      %dot_general3A_41 = tpu.matmul %convert_element_type3A_33, %convert_element_type3A_39, %dot_general3A_40 {dimension_numbers = #tpu.dot_dimension_numbers<[1], [0], [0], [1], [0, 0, 1, 1], [], []>, transpose_lhs_hint = false} : vector<512x512xbf16>, vector<512x1024xbf16>, vector<512x1024xf32> -> vector<512x1024xf32>
      %add3A = arith.addf %broadcast_in_dim3A_11, %dot_general3A_41 : vector<512x1024xf32>
      %get3A_42 = arith.constant 0 : index
      %get3A_43 = arith.constant 0 : index
      %get3A_44 = arith.constant 512 : index
      %get3A_45 = vector.load %arg4[%get3A_42, %get3A_43, %get3A_44] : memref<1x1024x2048xf32, #tpu.memory_space<vmem>>, vector<1x1024x512xf32>
      %get3A_46 = vector.shape_cast %get3A_45 : vector<1x1024x512xf32> to vector<1024x512xf32>
      %convert_element_type3A_47 = arith.truncf %get3A_46 : vector<1024x512xf32> to vector<1024x512xbf16>
      %get3A_48 = arith.constant 0 : index
      %get3A_49 = arith.constant 0 : index
      %get3A_50 = arith.constant 512 : index
      %get3A_51 = vector.load %arg5[%get3A_48, %get3A_49, %get3A_50] : memref<1x1024x2048xf32, #tpu.memory_space<vmem>>, vector<1x1024x512xf32>
      %get3A_52 = vector.shape_cast %get3A_51 : vector<1x1024x512xf32> to vector<1024x512xf32>
      %convert_element_type3A_53 = arith.truncf %get3A_52 : vector<1024x512xf32> to vector<1024x512xbf16>
      %dot_general3A_54 = arith.constant dense<0.000000e+00> : vector<512x512xf32>
      %dot_general3A_55 = tpu.matmul %convert_element_type3A_10, %convert_element_type3A_47, %dot_general3A_54 {dimension_numbers = #tpu.dot_dimension_numbers<[1], [0], [0], [1], [0, 0, 1, 1], [], []>, transpose_lhs_hint = false} : vector<512x1024xbf16>, vector<1024x512xbf16>, vector<512x512xf32> -> vector<512x512xf32>
      %dot_general3A_56 = arith.constant dense<0.000000e+00> : vector<512x512xf32>
      %dot_general3A_57 = tpu.matmul %convert_element_type3A_10, %convert_element_type3A_53, %dot_general3A_56 {dimension_numbers = #tpu.dot_dimension_numbers<[1], [0], [0], [1], [0, 0, 1, 1], [], []>, transpose_lhs_hint = false} : vector<512x1024xbf16>, vector<1024x512xbf16>, vector<512x512xf32> -> vector<512x512xf32>
      %logistic3A_58 = arith.negf %dot_general3A_55 : vector<512x512xf32>
      %logistic3A_59 = math.exp %logistic3A_58 : vector<512x512xf32>
      %logistic3A_60 = arith.constant 1.000000e+00 : f32
      %logistic3A_61 = vector.broadcast %logistic3A_60 : f32 to vector<512x512xf32>
      %logistic3A_62 = arith.addf %logistic3A_61, %logistic3A_59 : vector<512x512xf32>
      %logistic3A_63 = arith.divf %logistic3A_61, %logistic3A_62 : vector<512x512xf32>
      %mul3A_64 = arith.mulf %dot_general3A_55, %logistic3A_63 : vector<512x512xf32>
      %mul3A_65 = arith.mulf %mul3A_64, %dot_general3A_57 : vector<512x512xf32>
      %convert_element_type3A_66 = arith.truncf %mul3A_65 : vector<512x512xf32> to vector<512x512xbf16>
      %get3A_67 = arith.constant 0 : index
      %get3A_68 = arith.constant 512 : index
      %get3A_69 = arith.constant 0 : index
      %get3A_70 = vector.load %arg6[%get3A_67, %get3A_68, %get3A_69] : memref<1x2048x1024xf32, #tpu.memory_space<vmem>>, vector<1x512x1024xf32>
      %get3A_71 = vector.shape_cast %get3A_70 : vector<1x512x1024xf32> to vector<512x1024xf32>
      %convert_element_type3A_72 = arith.truncf %get3A_71 : vector<512x1024xf32> to vector<512x1024xbf16>
      %dot_general3A_73 = arith.constant dense<0.000000e+00> : vector<512x1024xf32>
      %dot_general3A_74 = tpu.matmul %convert_element_type3A_66, %convert_element_type3A_72, %dot_general3A_73 {dimension_numbers = #tpu.dot_dimension_numbers<[1], [0], [0], [1], [0, 0, 1, 1], [], []>, transpose_lhs_hint = false} : vector<512x512xbf16>, vector<512x1024xbf16>, vector<512x1024xf32> -> vector<512x1024xf32>
      %add3A_75 = arith.addf %add3A, %dot_general3A_74 : vector<512x1024xf32>
      %get3A_76 = arith.constant 0 : index
      %get3A_77 = arith.constant 0 : index
      %get3A_78 = arith.constant 1024 : index
      %get3A_79 = vector.load %arg4[%get3A_76, %get3A_77, %get3A_78] : memref<1x1024x2048xf32, #tpu.memory_space<vmem>>, vector<1x1024x512xf32>
      %get3A_80 = vector.shape_cast %get3A_79 : vector<1x1024x512xf32> to vector<1024x512xf32>
      %convert_element_type3A_81 = arith.truncf %get3A_80 : vector<1024x512xf32> to vector<1024x512xbf16>
      %get3A_82 = arith.constant 0 : index
      %get3A_83 = arith.constant 0 : index
      %get3A_84 = arith.constant 1024 : index
      %get3A_85 = vector.load %arg5[%get3A_82, %get3A_83, %get3A_84] : memref<1x1024x2048xf32, #tpu.memory_space<vmem>>, vector<1x1024x512xf32>
      %get3A_86 = vector.shape_cast %get3A_85 : vector<1x1024x512xf32> to vector<1024x512xf32>
      %convert_element_type3A_87 = arith.truncf %get3A_86 : vector<1024x512xf32> to vector<1024x512xbf16>
      %dot_general3A_88 = arith.constant dense<0.000000e+00> : vector<512x512xf32>
      %dot_general3A_89 = tpu.matmul %convert_element_type3A_10, %convert_element_type3A_81, %dot_general3A_88 {dimension_numbers = #tpu.dot_dimension_numbers<[1], [0], [0], [1], [0, 0, 1, 1], [], []>, transpose_lhs_hint = false} : vector<512x1024xbf16>, vector<1024x512xbf16>, vector<512x512xf32> -> vector<512x512xf32>
      %dot_general3A_90 = arith.constant dense<0.000000e+00> : vector<512x512xf32>
      %dot_general3A_91 = tpu.matmul %convert_element_type3A_10, %convert_element_type3A_87, %dot_general3A_90 {dimension_numbers = #tpu.dot_dimension_numbers<[1], [0], [0], [1], [0, 0, 1, 1], [], []>, transpose_lhs_hint = false} : vector<512x1024xbf16>, vector<1024x512xbf16>, vector<512x512xf32> -> vector<512x512xf32>
      %logistic3A_92 = arith.negf %dot_general3A_89 : vector<512x512xf32>
      %logistic3A_93 = math.exp %logistic3A_92 : vector<512x512xf32>
      %logistic3A_94 = arith.constant 1.000000e+00 : f32
      %logistic3A_95 = vector.broadcast %logistic3A_94 : f32 to vector<512x512xf32>
      %logistic3A_96 = arith.addf %logistic3A_95, %logistic3A_93 : vector<512x512xf32>
      %logistic3A_97 = arith.divf %logistic3A_95, %logistic3A_96 : vector<512x512xf32>
      %mul3A_98 = arith.mulf %dot_general3A_89, %logistic3A_97 : vector<512x512xf32>
      %mul3A_99 = arith.mulf %mul3A_98, %dot_general3A_91 : vector<512x512xf32>
      %convert_element_type3A_100 = arith.truncf %mul3A_99 : vector<512x512xf32> to vector<512x512xbf16>
      %get3A_101 = arith.constant 0 : index
      %get3A_102 = arith.constant 1024 : index
      %get3A_103 = arith.constant 0 : index
      %get3A_104 = vector.load %arg6[%get3A_101, %get3A_102, %get3A_103] : memref<1x2048x1024xf32, #tpu.memory_space<vmem>>, vector<1x512x1024xf32>
      %get3A_105 = vector.shape_cast %get3A_104 : vector<1x512x1024xf32> to vector<512x1024xf32>
      %convert_element_type3A_106 = arith.truncf %get3A_105 : vector<512x1024xf32> to vector<512x1024xbf16>
      %dot_general3A_107 = arith.constant dense<0.000000e+00> : vector<512x1024xf32>
      %dot_general3A_108 = tpu.matmul %convert_element_type3A_100, %convert_element_type3A_106, %dot_general3A_107 {dimension_numbers = #tpu.dot_dimension_numbers<[1], [0], [0], [1], [0, 0, 1, 1], [], []>, transpose_lhs_hint = false} : vector<512x512xbf16>, vector<512x1024xbf16>, vector<512x1024xf32> -> vector<512x1024xf32>
      %add3A_109 = arith.addf %add3A_75, %dot_general3A_108 : vector<512x1024xf32>
      %get3A_110 = arith.constant 0 : index
      %get3A_111 = arith.constant 0 : index
      %get3A_112 = arith.constant 1536 : index
      %get3A_113 = vector.load %arg4[%get3A_110, %get3A_111, %get3A_112] : memref<1x1024x2048xf32, #tpu.memory_space<vmem>>, vector<1x1024x512xf32>
      %get3A_114 = vector.shape_cast %get3A_113 : vector<1x1024x512xf32> to vector<1024x512xf32>
      %convert_element_type3A_115 = arith.truncf %get3A_114 : vector<1024x512xf32> to vector<1024x512xbf16>
      %get3A_116 = arith.constant 0 : index
      %get3A_117 = arith.constant 0 : index
      %get3A_118 = arith.constant 1536 : index
      %get3A_119 = vector.load %arg5[%get3A_116, %get3A_117, %get3A_118] : memref<1x1024x2048xf32, #tpu.memory_space<vmem>>, vector<1x1024x512xf32>
      %get3A_120 = vector.shape_cast %get3A_119 : vector<1x1024x512xf32> to vector<1024x512xf32>
      %convert_element_type3A_121 = arith.truncf %get3A_120 : vector<1024x512xf32> to vector<1024x512xbf16>
      %dot_general3A_122 = arith.constant dense<0.000000e+00> : vector<512x512xf32>
      %dot_general3A_123 = tpu.matmul %convert_element_type3A_10, %convert_element_type3A_115, %dot_general3A_122 {dimension_numbers = #tpu.dot_dimension_numbers<[1], [0], [0], [1], [0, 0, 1, 1], [], []>, transpose_lhs_hint = false} : vector<512x1024xbf16>, vector<1024x512xbf16>, vector<512x512xf32> -> vector<512x512xf32>
      %dot_general3A_124 = arith.constant dense<0.000000e+00> : vector<512x512xf32>
      %dot_general3A_125 = tpu.matmul %convert_element_type3A_10, %convert_element_type3A_121, %dot_general3A_124 {dimension_numbers = #tpu.dot_dimension_numbers<[1], [0], [0], [1], [0, 0, 1, 1], [], []>, transpose_lhs_hint = false} : vector<512x1024xbf16>, vector<1024x512xbf16>, vector<512x512xf32> -> vector<512x512xf32>
      %logistic3A_126 = arith.negf %dot_general3A_123 : vector<512x512xf32>
      %logistic3A_127 = math.exp %logistic3A_126 : vector<512x512xf32>
      %logistic3A_128 = arith.constant 1.000000e+00 : f32
      %logistic3A_129 = vector.broadcast %logistic3A_128 : f32 to vector<512x512xf32>
      %logistic3A_130 = arith.addf %logistic3A_129, %logistic3A_127 : vector<512x512xf32>
      %logistic3A_131 = arith.divf %logistic3A_129, %logistic3A_130 : vector<512x512xf32>
      %mul3A_132 = arith.mulf %dot_general3A_123, %logistic3A_131 : vector<512x512xf32>
      %mul3A_133 = arith.mulf %mul3A_132, %dot_general3A_125 : vector<512x512xf32>
      %convert_element_type3A_134 = arith.truncf %mul3A_133 : vector<512x512xf32> to vector<512x512xbf16>
      %get3A_135 = arith.constant 0 : index
      %get3A_136 = arith.constant 1536 : index
      %get3A_137 = arith.constant 0 : index
      %get3A_138 = vector.load %arg6[%get3A_135, %get3A_136, %get3A_137] : memref<1x2048x1024xf32, #tpu.memory_space<vmem>>, vector<1x512x1024xf32>
      %get3A_139 = vector.shape_cast %get3A_138 : vector<1x512x1024xf32> to vector<512x1024xf32>
      %convert_element_type3A_140 = arith.truncf %get3A_139 : vector<512x1024xf32> to vector<512x1024xbf16>
      %dot_general3A_141 = arith.constant dense<0.000000e+00> : vector<512x1024xf32>
      %dot_general3A_142 = tpu.matmul %convert_element_type3A_134, %convert_element_type3A_140, %dot_general3A_141 {dimension_numbers = #tpu.dot_dimension_numbers<[1], [0], [0], [1], [0, 0, 1, 1], [], []>, transpose_lhs_hint = false} : vector<512x512xbf16>, vector<512x1024xbf16>, vector<512x1024xf32> -> vector<512x1024xf32>
      %add3A_143 = arith.addf %add3A_109, %dot_general3A_142 : vector<512x1024xf32>
      %swap3A = arith.constant 0 : index
      %swap3A_144 = arith.constant 0 : index
      %swap3A_145 = vector.load %arg7[%swap3A, %swap3A_144] : memref<512x1024xf32, #tpu.memory_space<vmem>>, vector<512x1024xf32>
      tpu.vector_store %arg7[%swap3A, %swap3A_144], %add3A_143 {strides = array<i32>} : memref<512x1024xf32, #tpu.memory_space<vmem>>, vector<512x1024xf32>,
    } else {
    }
    %not3A = arith.constant true
    %not3A_3 = arith.xori %gt3A_1, %not3A : i1
    %convert_element_type3A_4 = arith.extui %not3A_3 : i1 to i32
    %cond3A_5 = arith.constant 0 : i32
    %cond3A_6 = arith.cmpi ne, %convert_element_type3A_4, %cond3A_5 : i32
    scf.if %cond3A_6 {
      %broadcast_in_dim3A = arith.constant 0.000000e+00 : f32
      %broadcast_in_dim3A_7 = vector.broadcast %broadcast_in_dim3A : f32 to vector<512x1024xf32>
      %swap3A = arith.constant 0 : index
      %swap3A_8 = arith.constant 0 : index
      %swap3A_9 = vector.load %arg7[%swap3A, %swap3A_8] : memref<512x1024xf32, #tpu.memory_space<vmem>>, vector<512x1024xf32>
      tpu.vector_store %arg7[%swap3A, %swap3A_8], %broadcast_in_dim3A_7 {strides = array<i32>} : memref<512x1024xf32, #tpu.memory_space<vmem>>, vector<512x1024xf32>,
    } else {
    }
    return
  }
  func.func @transform_0(%arg0: i32, %arg1: memref<16xi32, #tpu.memory_space<smem>>, %arg2: memref<16xi32, #tpu.memory_space<smem>>) -> (i32, i32) {
    %c0_i32 = arith.constant 0 : i32
    %c0_i32_0 = arith.constant 0 : i32
    return %arg0, %c0_i32 : i32, i32
  }
  func.func @transform_1(%arg0: i32, %arg1: memref<16xi32, #tpu.memory_space<smem>>, %arg2: memref<16xi32, #tpu.memory_space<smem>>) -> (i32, i32, i32) {
    %get3A = arith.index_cast %arg0 : i32 to index
    %get3A_0 = memref.load %arg1[%get3A] : memref<16xi32, #tpu.memory_space<smem>>
    %c0_i32 = arith.constant 0 : i32
    %c0_i32_1 = arith.constant 0 : i32
    %c0_i32_2 = arith.constant 0 : i32
    return %get3A_0, %c0_i32, %c0_i32_1 : i32, i32, i32
  }
  func.func @transform_2(%arg0: i32, %arg1: memref<16xi32, #tpu.memory_space<smem>>, %arg2: memref<16xi32, #tpu.memory_space<smem>>) -> (i32, i32, i32) {
    %get3A = arith.index_cast %arg0 : i32 to index
    %get3A_0 = memref.load %arg1[%get3A] : memref<16xi32, #tpu.memory_space<smem>>
    %c0_i32 = arith.constant 0 : i32
    %c0_i32_1 = arith.constant 0 : i32
    %c0_i32_2 = arith.constant 0 : i32
    return %get3A_0, %c0_i32, %c0_i32_1 : i32, i32, i32
  }
  func.func @transform_3(%arg0: i32, %arg1: memref<16xi32, #tpu.memory_space<smem>>, %arg2: memref<16xi32, #tpu.memory_space<smem>>) -> (i32, i32, i32) {
    %get3A = arith.index_cast %arg0 : i32 to index
    %get3A_0 = memref.load %arg1[%get3A] : memref<16xi32, #tpu.memory_space<smem>>
    %c0_i32 = arith.constant 0 : i32
    %c0_i32_1 = arith.constant 0 : i32
    %c0_i32_2 = arith.constant 0 : i32
    return %get3A_0, %c0_i32, %c0_i32_1 : i32, i32, i32
  }
  func.func @transform_4(%arg0: i32, %arg1: memref<16xi32, #tpu.memory_space<smem>>, %arg2: memref<16xi32, #tpu.memory_space<smem>>) -> (i32, i32) {
    %c0_i32 = arith.constant 0 : i32
    %c0_i32_0 = arith.constant 0 : i32
    return %arg0, %c0_i32 : i32, i32
  }
}

module attributes {stable_mosaic.version = 14 : i64} {
  func.func @_add_body(%arg0: i32, %arg1: memref<256x1024xf32, #tpu.memory_space<vmem>>, %arg2: memref<256x1024xf32, #tpu.memory_space<vmem>>, %arg3: memref<256x8xf32, #tpu.memory_space<vmem>>, %arg4: memref<256x1024xf32, #tpu.memory_space<vmem>>) attributes {dimension_semantics = [#tpu.dimension_semantics<arbitrary>], iteration_bounds = array<i64: 8>, scalar_prefetch = 0 : i64, scratch_operands = 0 : i64, tpu.core_type = #tpu.core_type<tc>, window_params = [{transform_indices = @transform_0, window_bounds = array<i64: 256, 1024>}, {transform_indices = @transform_1, window_bounds = array<i64: 256, 1024>}, {transform_indices = @transform_2, window_bounds = array<i64: 256, 8>}, {transform_indices = @transform_3, window_bounds = array<i64: 256, 1024>}]} {
    %get3A = arith.constant 0 : index
    %get3A_0 = arith.constant 0 : index
    %get3A_1 = vector.load %arg3[%get3A, %get3A_0] : memref<256x8xf32, #tpu.memory_space<vmem>>, vector<256x8xf32>
    %get3A_2 = arith.constant 0 : index
    %get3A_3 = arith.constant 0 : index
    %get3A_4 = vector.load %arg1[%get3A_2, %get3A_3] : memref<256x1024xf32, #tpu.memory_space<vmem>>, vector<256x1024xf32>
    %slice3A = vector.extract_strided_slice %get3A_1 {offsets = [0, 0], sizes = [256, 1], strides = [1, 1]} : vector<256x8xf32> to vector<256x1xf32>
    %mul3A = vector.broadcast %slice3A : vector<256x1xf32> to vector<256x1024xf32>
    %mul3A_5 = arith.mulf %get3A_4, %mul3A : vector<256x1024xf32>
    %get3A_6 = arith.constant 0 : index
    %get3A_7 = arith.constant 0 : index
    %get3A_8 = vector.load %arg2[%get3A_6, %get3A_7] : memref<256x1024xf32, #tpu.memory_space<vmem>>, vector<256x1024xf32>
    %slice3A_9 = vector.extract_strided_slice %get3A_1 {offsets = [0, 1], sizes = [256, 1], strides = [1, 1]} : vector<256x8xf32> to vector<256x1xf32>
    %mul3A_10 = vector.broadcast %slice3A_9 : vector<256x1xf32> to vector<256x1024xf32>
    %mul3A_11 = arith.mulf %get3A_8, %mul3A_10 : vector<256x1024xf32>
    %add3A = arith.addf %mul3A_5, %mul3A_11 : vector<256x1024xf32>
    %swap3A = arith.constant 0 : index
    %swap3A_12 = arith.constant 0 : index
    %swap3A_13 = vector.load %arg4[%swap3A, %swap3A_12] : memref<256x1024xf32, #tpu.memory_space<vmem>>, vector<256x1024xf32>
    tpu.vector_store %arg4[%swap3A, %swap3A_12], %add3A {strides = array<i32>} : memref<256x1024xf32, #tpu.memory_space<vmem>>, vector<256x1024xf32>,
    return
  }
  func.func @transform_0(%arg0: i32) -> (i32, i32) {
    %c0_i32 = arith.constant 0 : i32
    %c0_i32_0 = arith.constant 0 : i32
    return %arg0, %c0_i32 : i32, i32
  }
  func.func @transform_1(%arg0: i32) -> (i32, i32) {
    %add3A = arith.constant 8 : i32
    %add3A_0 = arith.addi %arg0, %add3A : i32
    %c0_i32 = arith.constant 0 : i32
    %c0_i32_1 = arith.constant 0 : i32
    return %add3A_0, %c0_i32 : i32, i32
  }
  func.func @transform_2(%arg0: i32) -> (i32, i32) {
    %c0_i32 = arith.constant 0 : i32
    %c0_i32_0 = arith.constant 0 : i32
    return %arg0, %c0_i32 : i32, i32
  }
  func.func @transform_3(%arg0: i32) -> (i32, i32) {
    %c0_i32 = arith.constant 0 : i32
    %c0_i32_0 = arith.constant 0 : i32
    return %arg0, %c0_i32 : i32, i32
  }
}

module attributes {stable_mosaic.version = 14 : i64} {
  func.func @_router_body(%arg0: memref<2048x1024xf32, #tpu.memory_space<vmem>>, %arg1: memref<1024x8xf32, #tpu.memory_space<vmem>>, %arg2: memref<4096xi32, #tpu.memory_space<vmem>>, %arg3: memref<16xi32, #tpu.memory_space<vmem>>, %arg4: memref<16xi32, #tpu.memory_space<vmem>>, %arg5: memref<2048x8xf32, #tpu.memory_space<vmem>>) attributes {dimension_semantics = [], scalar_prefetch = 0 : i64, scratch_operands = 0 : i64, tpu.core_type = #tpu.core_type<tc>} {
    %get3A = arith.constant 0 : index
    %get3A_0 = arith.constant 0 : index
    %get3A_1 = vector.load %arg0[%get3A, %get3A_0] : memref<2048x1024xf32, #tpu.memory_space<vmem>>, vector<2048x1024xf32>
    %get3A_2 = arith.constant 0 : index
    %get3A_3 = arith.constant 0 : index
    %get3A_4 = vector.load %arg1[%get3A_2, %get3A_3] : memref<1024x8xf32, #tpu.memory_space<vmem>>, vector<1024x8xf32>
    %dot_general3A = arith.constant dense<0.000000e+00> : vector<2048x8xf32>
    %dot_general3A_5 = tpu.matmul %get3A_1, %get3A_4, %dot_general3A {dimension_numbers = #tpu.dot_dimension_numbers<[1], [0], [0], [1], [0, 0, 1, 1], [], []>, transpose_lhs_hint = false} : vector<2048x1024xf32>, vector<1024x8xf32>, vector<2048x8xf32> -> vector<2048x8xf32>
    %reduce_max3A = arith.constant dense<0xFF800000> : vector<2048xf32>
    %reduce_max3A_6 = vector.multi_reduction <maximumf>, %dot_general3A_5, %reduce_max3A [1] : vector<2048x8xf32> to vector<2048xf32>
    %broadcast_in_dim3A = vector.shape_cast %reduce_max3A_6 : vector<2048xf32> to vector<2048x1xf32>
    %sub3A = vector.broadcast %broadcast_in_dim3A : vector<2048x1xf32> to vector<2048x8xf32>
    %sub3A_7 = arith.subf %dot_general3A_5, %sub3A : vector<2048x8xf32>
    %exp3A = math.exp %sub3A_7 : vector<2048x8xf32>
    %reduce_sum3A = arith.constant dense<0.000000e+00> : vector<2048xf32>
    %reduce_sum3A_8 = vector.multi_reduction <add>, %exp3A, %reduce_sum3A [1] : vector<2048x8xf32> to vector<2048xf32>
    %broadcast_in_dim3A_9 = vector.shape_cast %reduce_sum3A_8 : vector<2048xf32> to vector<2048x1xf32>
    %div3A = vector.broadcast %broadcast_in_dim3A_9 : vector<2048x1xf32> to vector<2048x8xf32>
    %div3A_10 = arith.divf %exp3A, %div3A : vector<2048x8xf32>
    %iota3A = tpu.iota {dimensions = array<i32: 1>} : vector<2048x8xi32>
    %reduce_max3A_11 = arith.constant dense<0xFF800000> : vector<2048xf32>
    %reduce_max3A_12 = vector.multi_reduction <maximumf>, %div3A_10, %reduce_max3A_11 [1] : vector<2048x8xf32> to vector<2048xf32>
    %broadcast_in_dim3A_13 = vector.shape_cast %reduce_max3A_12 : vector<2048xf32> to vector<2048x1xf32>
    %eq3A = vector.broadcast %broadcast_in_dim3A_13 : vector<2048x1xf32> to vector<2048x8xf32>
    %eq3A_14 = arith.cmpf oeq, %div3A_10, %eq3A : vector<2048x8xf32>
    %jit3A = arith.constant 8 : i32
    %broadcast_in_dim3A_15 = vector.broadcast %jit3A : i32 to vector<2048x8xi32>
    %select_n3A = arith.select %eq3A_14, %iota3A, %broadcast_in_dim3A_15 : vector<2048x8xi1>, vector<2048x8xi32>
    %reduce_min3A = arith.constant dense<2147483647> : vector<2048xi32>
    %reduce_min3A_16 = vector.multi_reduction <minsi>, %select_n3A, %reduce_min3A [1] : vector<2048x8xi32> to vector<2048xi32>
    %broadcast_in_dim3A_17 = vector.shape_cast %reduce_min3A_16 : vector<2048xi32> to vector<2048x1xi32>
    %eq3A_18 = vector.broadcast %broadcast_in_dim3A_17 : vector<2048x1xi32> to vector<2048x8xi32>
    %eq3A_19 = arith.cmpi eq, %iota3A, %eq3A_18 : vector<2048x8xi32>
    %jit3A_20 = arith.constant 0xFF800000 : f32
    %broadcast_in_dim3A_21 = vector.broadcast %jit3A_20 : f32 to vector<2048x8xf32>
    %select_n3A_22 = arith.select %eq3A_19, %broadcast_in_dim3A_21, %div3A_10 : vector<2048x8xi1>, vector<2048x8xf32>
    %reduce_max3A_23 = arith.constant dense<0xFF800000> : vector<2048xf32>
    %reduce_max3A_24 = vector.multi_reduction <maximumf>, %select_n3A_22, %reduce_max3A_23 [1] : vector<2048x8xf32> to vector<2048xf32>
    %broadcast_in_dim3A_25 = vector.shape_cast %reduce_max3A_24 : vector<2048xf32> to vector<2048x1xf32>
    %eq3A_26 = vector.broadcast %broadcast_in_dim3A_25 : vector<2048x1xf32> to vector<2048x8xf32>
    %eq3A_27 = arith.cmpf oeq, %select_n3A_22, %eq3A_26 : vector<2048x8xf32>
    %jit3A_28 = arith.constant 8 : i32
    %broadcast_in_dim3A_29 = vector.broadcast %jit3A_28 : i32 to vector<2048x8xi32>
    %select_n3A_30 = arith.select %eq3A_27, %iota3A, %broadcast_in_dim3A_29 : vector<2048x8xi1>, vector<2048x8xi32>
    %reduce_min3A_31 = arith.constant dense<2147483647> : vector<2048xi32>
    %reduce_min3A_32 = vector.multi_reduction <minsi>, %select_n3A_30, %reduce_min3A_31 [1] : vector<2048x8xi32> to vector<2048xi32>
    %broadcast_in_dim3A_33 = vector.shape_cast %reduce_min3A_32 : vector<2048xi32> to vector<2048x1xi32>
    %sub3A_34 = arith.subf %broadcast_in_dim3A_25, %broadcast_in_dim3A_13 : vector<2048x1xf32>
    %exp3A_35 = math.exp %sub3A_34 : vector<2048x1xf32>
    %add3A = arith.constant 1.000000e+00 : f32
    %add3A_36 = vector.broadcast %add3A : f32 to vector<2048x1xf32>
    %add3A_37 = arith.addf %add3A_36, %exp3A_35 : vector<2048x1xf32>
    %div3A_38 = arith.constant 1.000000e+00 : f32
    %div3A_39 = vector.broadcast %div3A_38 : f32 to vector<2048x1xf32>
    %div3A_40 = arith.divf %div3A_39, %add3A_37 : vector<2048x1xf32>
    %eq3A_41 = arith.constant 0 : i32
    %eq3A_42 = vector.broadcast %eq3A_41 : i32 to vector<2048x8xi32>
    %eq3A_43 = arith.cmpi eq, %iota3A, %eq3A_42 : vector<2048x8xi32>
    %eq3A_44 = arith.constant 1 : i32
    %eq3A_45 = vector.broadcast %eq3A_44 : i32 to vector<2048x8xi32>
    %eq3A_46 = arith.cmpi eq, %iota3A, %eq3A_45 : vector<2048x8xi32>
    %sub3A_47 = arith.constant 1.000000e+00 : f32
    %sub3A_48 = vector.broadcast %sub3A_47 : f32 to vector<2048x1xf32>
    %sub3A_49 = arith.subf %sub3A_48, %div3A_40 : vector<2048x1xf32>
    %jit3A_50 = arith.constant 0.000000e+00 : f32
    %broadcast_in_dim3A_51 = vector.shape_cast %sub3A_49 : vector<2048x1xf32> to vector<2048x1xf32>
    %broadcast_in_dim3A_52 = vector.broadcast %broadcast_in_dim3A_51 : vector<2048x1xf32> to vector<2048x8xf32>
    %broadcast_in_dim3A_53 = vector.broadcast %jit3A_50 : f32 to vector<2048x8xf32>
    %select_n3A_54 = arith.select %eq3A_46, %broadcast_in_dim3A_52, %broadcast_in_dim3A_53 : vector<2048x8xi1>, vector<2048x8xf32>
    %broadcast_in_dim3A_55 = vector.shape_cast %div3A_40 : vector<2048x1xf32> to vector<2048x1xf32>
    %broadcast_in_dim3A_56 = vector.broadcast %broadcast_in_dim3A_55 : vector<2048x1xf32> to vector<2048x8xf32>
    %select_n3A_57 = arith.select %eq3A_43, %broadcast_in_dim3A_56, %select_n3A_54 : vector<2048x8xi1>, vector<2048x8xf32>
    %swap3A = arith.constant 0 : index
    %swap3A_58 = arith.constant 0 : index
    %swap3A_59 = vector.load %arg5[%swap3A, %swap3A_58] : memref<2048x8xf32, #tpu.memory_space<vmem>>, vector<2048x8xf32>
    tpu.vector_store %arg5[%swap3A, %swap3A_58], %select_n3A_57 {strides = array<i32>} : memref<2048x8xf32, #tpu.memory_space<vmem>>, vector<2048x8xf32>,
    %eq3A_60 = vector.broadcast %broadcast_in_dim3A_17 : vector<2048x1xi32> to vector<2048x8xi32>
    %eq3A_61 = arith.cmpi eq, %eq3A_60, %iota3A : vector<2048x8xi32>
    %eq3A_62 = vector.broadcast %broadcast_in_dim3A_33 : vector<2048x1xi32> to vector<2048x8xi32>
    %eq3A_63 = arith.cmpi eq, %eq3A_62, %iota3A : vector<2048x8xi32>
    %or3A = arith.ori %eq3A_61, %eq3A_63 : vector<2048x8xi1>
    %convert_element_type3A = arith.extui %or3A : vector<2048x8xi1> to vector<2048x8xi32>
    %convert_element_type3A_64 = arith.sitofp %convert_element_type3A : vector<2048x8xi32> to vector<2048x8xf32>
    %iota3A_65 = tpu.iota {dimensions = array<i32: 0>} : vector<2048x2048xi32>
    %iota3A_66 = tpu.iota {dimensions = array<i32: 1>} : vector<2048x2048xi32>
    %ge3A = arith.cmpi sge, %iota3A_65, %iota3A_66 : vector<2048x2048xi32>
    %convert_element_type3A_67 = arith.extui %ge3A : vector<2048x2048xi1> to vector<2048x2048xi32>
    %convert_element_type3A_68 = arith.sitofp %convert_element_type3A_67 : vector<2048x2048xi32> to vector<2048x2048xf32>
    %convert_element_type3A_69 = arith.truncf %convert_element_type3A_68 : vector<2048x2048xf32> to vector<2048x2048xbf16>
    %convert_element_type3A_70 = arith.truncf %convert_element_type3A_64 : vector<2048x8xf32> to vector<2048x8xbf16>
    %dot_general3A_71 = arith.constant dense<0.000000e+00> : vector<2048x8xf32>
    %dot_general3A_72 = tpu.matmul %convert_element_type3A_69, %convert_element_type3A_70, %dot_general3A_71 {dimension_numbers = #tpu.dot_dimension_numbers<[1], [0], [0], [1], [0, 0, 1, 1], [], []>, transpose_lhs_hint = false} : vector<2048x2048xbf16>, vector<2048x8xbf16>, vector<2048x8xf32> -> vector<2048x8xf32>
    %sub3A_73 = arith.subf %dot_general3A_72, %convert_element_type3A_64 : vector<2048x8xf32>
    %reduce_max3A_74 = arith.constant dense<0xFF800000> : vector<8xf32>
    %reduce_max3A_75 = vector.multi_reduction <maximumf>, %dot_general3A_72, %reduce_max3A_74 [0] : vector<2048x8xf32> to vector<8xf32>
    %broadcast_in_dim3A_76 = vector.shape_cast %reduce_max3A_75 : vector<8xf32> to vector<1x8xf32>
    %add3A_77 = arith.constant 5.110000e+02 : f32
    %add3A_78 = vector.broadcast %add3A_77 : f32 to vector<1x8xf32>
    %add3A_79 = arith.addf %broadcast_in_dim3A_76, %add3A_78 : vector<1x8xf32>
    %mul3A = arith.constant 0.001953125 : f32
    %mul3A_80 = vector.broadcast %mul3A : f32 to vector<1x8xf32>
    %mul3A_81 = arith.mulf %add3A_79, %mul3A_80 : vector<1x8xf32>
    %floor3A = math.floor %mul3A_81 : vector<1x8xf32>
    %iota3A_82 = tpu.iota {dimensions = array<i32: 0>} : vector<8x8xi32>
    %iota3A_83 = tpu.iota {dimensions = array<i32: 1>} : vector<8x8xi32>
    %le3A = arith.cmpi sle, %iota3A_82, %iota3A_83 : vector<8x8xi32>
    %convert_element_type3A_84 = arith.extui %le3A : vector<8x8xi1> to vector<8x8xi32>
    %convert_element_type3A_85 = arith.sitofp %convert_element_type3A_84 : vector<8x8xi32> to vector<8x8xf32>
    %dot_general3A_86 = arith.constant dense<0.000000e+00> : vector<1x8xf32>
    %dot_general3A_87 = tpu.matmul %floor3A, %convert_element_type3A_85, %dot_general3A_86 {dimension_numbers = #tpu.dot_dimension_numbers<[1], [0], [0], [1], [0, 0, 1, 1], [], []>, transpose_lhs_hint = false} : vector<1x8xf32>, vector<8x8xf32>, vector<1x8xf32> -> vector<1x8xf32>
    %sub3A_88 = arith.subf %dot_general3A_87, %floor3A : vector<1x8xf32>
    %mul3A_89 = arith.constant 5.120000e+02 : f32
    %mul3A_90 = vector.broadcast %mul3A_89 : f32 to vector<1x8xf32>
    %mul3A_91 = arith.mulf %sub3A_88, %mul3A_90 : vector<1x8xf32>
    %add3A_92 = vector.broadcast %mul3A_91 : vector<1x8xf32> to vector<2048x8xf32>
    %add3A_93 = arith.addf %add3A_92, %sub3A_73 : vector<2048x8xf32>
    %jit3A_94 = arith.constant 0.000000e+00 : f32
    %broadcast_in_dim3A_95 = vector.broadcast %jit3A_94 : f32 to vector<2048x8xf32>
    %select_n3A_96 = arith.select %eq3A_61, %add3A_93, %broadcast_in_dim3A_95 : vector<2048x8xi1>, vector<2048x8xf32>
    %reduce_sum3A_97 = arith.constant dense<0.000000e+00> : vector<2048xf32>
    %reduce_sum3A_98 = vector.multi_reduction <add>, %select_n3A_96, %reduce_sum3A_97 [1] : vector<2048x8xf32> to vector<2048xf32>
    %convert_element_type3A_99 = arith.fptosi %reduce_sum3A_98 : vector<2048xf32> to vector<2048xi32>
    %jit3A_100 = arith.constant 0.000000e+00 : f32
    %broadcast_in_dim3A_101 = vector.broadcast %jit3A_100 : f32 to vector<2048x8xf32>
    %select_n3A_102 = arith.select %eq3A_63, %add3A_93, %broadcast_in_dim3A_101 : vector<2048x8xi1>, vector<2048x8xf32>
    %reduce_sum3A_103 = arith.constant dense<0.000000e+00> : vector<2048xf32>
    %reduce_sum3A_104 = vector.multi_reduction <add>, %select_n3A_102, %reduce_sum3A_103 [1] : vector<2048x8xf32> to vector<2048xf32>
    %convert_element_type3A_105 = arith.fptosi %reduce_sum3A_104 : vector<2048xf32> to vector<2048xi32>
    %swap3A_106 = arith.constant 0 : index
    %swap3A_107 = vector.load %arg2[%swap3A_106] : memref<4096xi32, #tpu.memory_space<vmem>>, vector<2048xi32>
    tpu.vector_store %arg2[%swap3A_106], %convert_element_type3A_99 {strides = array<i32>} : memref<4096xi32, #tpu.memory_space<vmem>>, vector<2048xi32>,
    %swap3A_108 = arith.constant 2048 : index
    %swap3A_109 = vector.load %arg2[%swap3A_108] : memref<4096xi32, #tpu.memory_space<vmem>>, vector<2048xi32>
    tpu.vector_store %arg2[%swap3A_108], %convert_element_type3A_105 {strides = array<i32>} : memref<4096xi32, #tpu.memory_space<vmem>>, vector<2048xi32>,
    %iota3A_110 = tpu.iota {dimensions = array<i32: 0>} : vector<16x8xi32>
    %convert_element_type3A_111 = arith.sitofp %iota3A_110 : vector<16x8xi32> to vector<16x8xf32>
    %ge3A_112 = vector.broadcast %dot_general3A_87 : vector<1x8xf32> to vector<16x8xf32>
    %ge3A_113 = arith.cmpf oge, %convert_element_type3A_111, %ge3A_112 : vector<16x8xf32>
    %convert_element_type3A_114 = arith.extui %ge3A_113 : vector<16x8xi1> to vector<16x8xi32>
    %convert_element_type3A_115 = arith.sitofp %convert_element_type3A_114 : vector<16x8xi32> to vector<16x8xf32>
    %reduce_sum3A_116 = arith.constant dense<0.000000e+00> : vector<16xf32>
    %reduce_sum3A_117 = vector.multi_reduction <add>, %convert_element_type3A_115, %reduce_sum3A_116 [1] : vector<16x8xf32> to vector<16xf32>
    %min3A = arith.constant 7.000000e+00 : f32
    %min3A_118 = vector.broadcast %min3A : f32 to vector<16xf32>
    %min3A_119 = arith.minimumf %reduce_sum3A_117, %min3A_118 : vector<16xf32>
    %reduce_max3A_120 = vector.shape_cast %dot_general3A_87 : vector<1x8xf32> to vector<1x1x8xf32>
    %reduce_max3A_121 = arith.constant dense<0xFF800000> : vector<1xf32>
    %reduce_max3A_122 = vector.multi_reduction <maximumf>, %reduce_max3A_120, %reduce_max3A_121 [1, 2] : vector<1x1x8xf32> to vector<1xf32>
    %reduce_max3A_123 = vector.shape_cast %reduce_max3A_122 : vector<1xf32> to vector<1x1x1xf32>
    %reduce_max3A_124 = vector.extract %reduce_max3A_123[0, 0, 0] : f32 from vector<1x1x1xf32>
    %iota3A_125 = tpu.iota {dimensions = array<i32: 0>} : vector<16x1xi32>
    %squeeze3A = vector.shape_cast %iota3A_125 : vector<16x1xi32> to vector<16xi32>
    %convert_element_type3A_126 = arith.sitofp %squeeze3A : vector<16xi32> to vector<16xf32>
    %lt3A = vector.broadcast %reduce_max3A_124 : f32 to vector<16xf32>
    %lt3A_127 = arith.cmpf olt, %convert_element_type3A_126, %lt3A : vector<16xf32>
    %jit3A_128 = arith.constant 0.000000e+00 : f32
    %broadcast_in_dim3A_129 = vector.broadcast %jit3A_128 : f32 to vector<16xf32>
    %select_n3A_130 = arith.select %lt3A_127, %min3A_119, %broadcast_in_dim3A_129 : vector<16xi1>, vector<16xf32>
    %reduce_max3A_131 = vector.shape_cast %select_n3A_130 : vector<16xf32> to vector<1x16xf32>
    %reduce_max3A_132 = arith.constant dense<0xFF800000> : vector<1xf32>
    %reduce_max3A_133 = vector.multi_reduction <maximumf>, %reduce_max3A_131, %reduce_max3A_132 [1] : vector<1x16xf32> to vector<1xf32>
    %reduce_max3A_134 = vector.shape_cast %reduce_max3A_133 : vector<1xf32> to vector<1x1xf32>
    %reduce_max3A_135 = vector.extract %reduce_max3A_134[0, 0] : f32 from vector<1x1xf32>
    %broadcast_in_dim3A_136 = vector.broadcast %reduce_max3A_135 : f32 to vector<16xf32>
    %select_n3A_137 = arith.select %lt3A_127, %min3A_119, %broadcast_in_dim3A_136 : vector<16xi1>, vector<16xf32>
    %convert_element_type3A_138 = arith.fptosi %select_n3A_137 : vector<16xf32> to vector<16xi32>
    %swap3A_139 = arith.constant 0 : index
    %swap3A_140 = vector.load %arg3[%swap3A_139] : memref<16xi32, #tpu.memory_space<vmem>>, vector<16xi32>
    tpu.vector_store %arg3[%swap3A_139], %convert_element_type3A_138 {strides = array<i32>} : memref<16xi32, #tpu.memory_space<vmem>>, vector<16xi32>,
    %convert_element_type3A_141 = arith.extui %lt3A_127 : vector<16xi1> to vector<16xi32>
    %swap3A_142 = arith.constant 0 : index
    %swap3A_143 = vector.load %arg4[%swap3A_142] : memref<16xi32, #tpu.memory_space<vmem>>, vector<16xi32>
    tpu.vector_store %arg4[%swap3A_142], %convert_element_type3A_141 {strides = array<i32>} : memref<16xi32, #tpu.memory_space<vmem>>, vector<16xi32>,
    return
  }
}

</mosaic_0001>

<sc_bundles>
// kernel: kernel.10.cloned.1.call-start
scs
__scs_entry_jumppad:
0x0: {  	(pc) =	sbr.rel $0x88, $3  }
0x1: {  	(tag) =	ssettag $0x0;
	lr =	simm.s32 $0x1  }
0x2: {  	[smem:$0x3F9C] =	sst lr;
	_ =	strace $0xD0000000  }
0x3: {  	_ = 	snop  }
0x4: {  	_ = 	snop  }
0x5: {  	_ = 	snop  }
0x6: {  	_ = 	snop  }
0x7: {  	_ = 	snop  }
__scs_overlays_trampoline_lowered:
0x8: {  	[smem:$0x3FAB] =	sst s0  }
0x9: {  	[smem:$0x3FAC] =	sst s1  }
0xa: {  	[smem:$0x3FAD] =	sst s2  }
0xb: {  	[smem:$0x3FAE] =	sst s3  }
0xc: {  	[smem:$0x3FAF] =	sst s4  }
0xd: {  	[smem:$0x3FB0] =	sst s5  }
0xe: {  	[smem:$0x3FB1] =	sst s6  }
0xf: {  	[smem:$0x3FB2] =	sst s7  }
0x10: {  	[smem:$0x3FB3] =	sst s8  }
0x11: {  	[smem:$0x3FB4] =	sst s9;
	s0 =	simm.s32 @!p0 $0x0  }
0x12: {  	s1 =	sld [smem:$0x3F9A];
	s0 =	simm.s32 @p0 $0x1  }
0x13: {  	[smem:$0x3FB5] =	sst s0;
	s0 =	simm.s32 @!p1 $0x0  }
0x14: {  	s2 =	sld [smem:$0x3F99];
	s0 =	simm.s32 @p1 $0x1  }
0x15: {  	[smem:$0x3FB6] =	sst s0;
	s0 =	simm.s32 @!p2 $0x0  }
0x16: {  	s3 =	sld [smem:$0x3FDB];
	s0 =	simm.s32 @p2 $0x1  }
0x17: {  	s4 =	simm.s32 $0x1BF5;
	[smem:$0x3FB8] =	sst s0  }
0x18: {  	s0 =	sld [smem:$0x3F9B];
	_ =	swait.ge [sflag:s4], $0x0  }
0x19: {  	s7 =	sld [smem:$0x3F9C]  }
0x1a: {  	s8 =	sadd.s32 $0xFFFFE003, lr  }
0x1b: {  	s9 =	sadd.s32 $0xFFFFFEF7, lr;
	s5 =	simm.s32 $0xFFFFFFFF;
	p2 =	slt.u32 s8, $0xFFFFF086  }
0x1c: {  	p1 =	slt.u32 s9, $0xF7A;
	s5 =	simm.s32 @!p2 $0x0  }
0x1d: {  	s5 =	simm.s32 @p1 $0x1;
	p0 =	seq.s32 s7, s2  }
0x1e: {  	s7 =	smul.u32 @!p0 $0xF7A, s2;
	p2 =	seq.s32 @!p0 s5, $0x0  }
0x1f: {  	s9 =	smul.u32 $0xF7A, s1;
	s8 =	simm.s32 @!p0 $0x1BF5;
	p2 =	por !p2, p0  }
0x20: {  	[sflag:s8] =	ssyncset.s32 @!p0 $0xFFFFF086;
	s6 =	sadd.s32 @!p0 s3, s7;
	s7 =	simm.s32 @!p0 $0x108  }
0x21: {  	s3 =	sadd.s32 s3, s9;
	s6 =	sadd.s32 @!p0 $0x88, s6;
	s7 =	simm.s32 @p2 $0x1082  }
0x22: {  	[simem:s7], [sflag:s8] =	dma.local @!p0 [hbm:s6], $0xF7A  }
0x23: {  	s9 =	sor.u32 $0xD0000000, s2;
	s6 =	simm.s32 $0x108;
	_ =	swait.ge @!p0 [sflag:s8], $0x0  }
0x24: {  	s3 =	sadd.s32 $0x88, s3;
	s6 =	simm.s32 @!p1 $0x1082;
	[sflag:s4] =	ssyncset.s32 $0xFFFFF086  }
0x25: {  	[simem:s6], [sflag:s4] =	dma.local [hbm:s3], $0xF7A  }
0x26: {  	[smem:$0x3F9C] =	sst s1;
	(tag) =	ssettag s2;
	_ =	strace s9  }
0x27: {  	s1 =	sld [smem:$0x3FAC]  }
0x28: {  	s2 =	sld [smem:$0x3FAD]  }
0x29: {  	s4 =	sld [smem:$0x3FAF]  }
0x2a: {  	p0 =	seq.s32 s5, $0x0;
	s5 =	sld [smem:$0x3FB0]  }
0x2b: {  	s6 =	sld [smem:$0x3FB1]  }
0x2c: {  	s7 =	sld [smem:$0x3FB2]  }
0x2d: {  	s3 =	simm.s32 $0x108;
	s8 =	sld [smem:$0x3FB3]  }
0x2e: {  	s3 =	simm.s32 @!p0 $0x1082;
	s9 =	sld [smem:$0x3FB4]  }
0x2f: {  	lr =	sadd.s32 s0, s3;
	s0 =	sld [smem:$0x3FAB]  }
0x30: {  	s3 =	sld [smem:$0x3FAE]  }
0x31: {  	[smem:$0x3FB7] =	sst s10  }
0x32: {  	s10 =	sld [smem:$0x3FB5];
	_ =	sdelay $0x3  }
0x33: {  	p0 =	seq.s32 s10, $0x1;
	s10 =	sld [smem:$0x3FB7];
	_ =	sdelay $0x3  }
0x34: {  	[smem:$0x3FB7] =	sst s10  }
0x35: {  	s10 =	sld [smem:$0x3FB6];
	_ =	sdelay $0x3  }
0x36: {  	p1 =	seq.s32 s10, $0x1;
	s10 =	sld [smem:$0x3FB7];
	_ =	sdelay $0x3  }
0x37: {  	[smem:$0x3FB7] =	sst s10  }
0x38: {  	s10 =	sld [smem:$0x3FB8]  }
0x39: {  	_ = 	snop;
	(pc) =	sbr.ind lr, $3  }
0x3a: {  	_ = 	snop  }
0x3b: {  	_ = 	snop  }
0x3c: {  	p2 =	seq.s32 s10, $0x1;
	s10 =	sld [smem:$0x3FB7]  }
0x3d: {  	_ =	shalt  }
0x3e: {  	_ =	shalt  }
0x3f: {  	_ =	shalt  }
0x40: {  	_ =	shalt  }
0x41: {  	_ =	shalt  }
0x42: {  	_ =	shalt  }
0x43: {  	_ =	shalt  }
0x44: {  	_ =	shalt  }
0x45: {  	_ =	shalt  }
0x46: {  	_ =	shalt  }
0x47: {  	_ =	shalt  }
0x48: {  	_ =	shalt  }
0x49: {  	_ =	shalt  }
0x4a: {  	_ =	shalt  }
0x4b: {  	_ =	shalt  }
0x4c: {  	_ =	shalt  }
0x4d: {  	_ =	shalt  }
0x4e: {  	_ =	shalt  }
0x4f: {  	_ =	shalt  }
0x50: {  	_ =	shalt  }
0x51: {  	_ =	shalt  }
0x52: {  	_ =	shalt  }
0x53: {  	_ =	shalt  }
0x54: {  	_ =	shalt  }
0x55: {  	_ =	shalt  }
0x56: {  	_ =	shalt  }
0x57: {  	_ =	shalt  }
0x58: {  	_ =	shalt  }
0x59: {  	_ =	shalt  }
0x5a: {  	_ =	shalt  }
0x5b: {  	_ =	shalt  }
0x5c: {  	_ =	shalt  }
0x5d: {  	_ =	shalt  }
0x5e: {  	_ =	shalt  }
0x5f: {  	_ =	shalt  }
0x60: {  	_ =	shalt  }
0x61: {  	_ =	shalt  }
0x62: {  	_ =	shalt  }
0x63: {  	_ =	shalt  }
0x64: {  	_ =	shalt  }
0x65: {  	_ =	shalt  }
0x66: {  	_ =	shalt  }
0x67: {  	_ =	shalt  }
0x68: {  	_ =	shalt  }
0x69: {  	_ =	shalt  }
0x6a: {  	_ =	shalt  }
0x6b: {  	_ =	shalt  }
0x6c: {  	_ =	shalt  }
0x6d: {  	_ =	shalt  }
0x6e: {  	_ =	shalt  }
0x6f: {  	_ =	shalt  }
0x70: {  	_ =	shalt  }
0x71: {  	_ =	shalt  }
0x72: {  	_ =	shalt  }
0x73: {  	_ =	shalt  }
0x74: {  	_ =	shalt  }
0x75: {  	_ =	shalt  }
0x76: {  	_ =	shalt  }
0x77: {  	_ =	shalt  }
0x78: {  	_ =	shalt  }
0x79: {  	_ =	shalt  }
0x7a: {  	_ =	shalt  }
0x7b: {  	_ =	shalt  }
0x7c: {  	_ =	shalt  }
0x7d: {  	_ =	shalt  }
0x7e: {  	_ =	shalt  }
0x7f: {  	_ =	shalt  }
0x80: {  	_ =	shalt  }
0x81: {  	_ =	shalt  }
0x82: {  	_ =	shalt  }
0x83: {  	_ =	shalt  }
0x84: {  	_ =	shalt  }
0x85: {  	_ =	shalt  }
0x86: {  	_ =	shalt  }
0x87: {  	_ =	shalt  }
.Lfunc_end0:
.L_simem_size_0:
called_computation.1_lowered:
.L_overlay_start_0:
0x88: {  	s2 =	sld [smem:$0x3FD9]  }
0x89: {  	s3 =	sld [smem:$0x3FFE];
	_ =	sdelay $0x1  }
0x8a: {  	s1 =	srdreg.scid  }
0x8b: {  	s0 =	sand.u32 $0x1, s1  }
0x8c: {  	s16 =	sshll.u32 s0, $0xA;
	s2 =	sadd.s32 s3, s2  }
0x8d: {  	s2 =	sadd.s32 s2, s16  }
0x8e: {  	[smem:$0x3FC3] =	sst s2  }
0x8f: {  	_ = 	snop  }
0x90: {  	(tm) =	ssettm $0x1  }
0x91: {  	s17 =	sld [smem:$0x3FFB];
	_ =	sdelay $0x3  }
0x92: {  	_ =	strace s17  }
0x93: {  	s2 =	sld [smem:$0x3FFC];
	_ =	sdelay $0x3  }
0x94: {  	_ =	strace s2  }
0x95: {  	s2 =	sld [smem:$0x3FFD];
	_ =	sdelay $0x3  }
0x96: {  	_ =	strace s2  }
0x97: {  	_ =	strace $0x8FFFFFFF  }
0x98: {  	s18 =	sld [smem:$0x3FDB];
	_ =	sdelay $0x1  }
0x99: {  	s19 =	simm.s32 $_scs_section_size  }
0x9a: {  	s4 =	simm.s32 $_size__tile_overlayer_lowered;
	s5 =	simm.s32 $_tile_overlayer_lowered  }
0x9b: {  	s22 =	simm.s32 $0x1BFF;
	s21 =	sshll.u32 s5, $0x1;
	s2 =	sadd.s32 s19, s18  }
0x9c: {  	s6 =	simm.s32 $0x0;
	s20 =	sshll.u32 s4, $0x1;
	s4 =	sadd.s32 s21, s2  }
0x9d: {  	[timem:s6], [sflag:s22] =	dma.local [hbm:s4], s20  }
0x9e: {  	_ =	swait.ge [sflag:s22], s20  }
0x9f: {  	s3 =	ssub.s32 $0x0, s20;
	[sflag:s22] =	ssyncset.done $0x0  }
0xa0: {  	[sflag:s22] =	ssyncadd.s32 s3;
	_ =	sdelay $0x1  }
0xa1: {  	s23 =	simm.s32 $0x1B8B  }
0xa2: {  	_ =	swait.ge [sflag:s23], $0x1  }
0xa3: {  	[sflag:s23] =	ssyncset.done $0x0  }
0xa4: {  	s25 =	simm.s32 $0x1B8E;
	s24 =	sld [smem:$0x3FFE];
	[sflag:s23] =	ssyncadd.s32 $0xFFFFFFFF  }
0xa5: {  	s26 =	simm.s32 $execute0_lowered;
	[smem:$0x3FD2] =	sst s25  }
0xa6: {  	s4 =	sshll.u32 s26, $0x1;
	_ =	strace $0x80000049;
	[dreg:$0x1] =	wrdreg $0xFFFFFFFF  }
0xa7: {  	s28 =	simm.s32 $_size_execute0_lowered;
	s2 =	sadd.s32 s2, s4;
	[dreg:$0x0] =	wrdreg $0x0  }
0xa8: {  	s4 =	sshll.u32 s28, $0x1;
	[dreg:$0x2] =	wrdreg s2  }
0xa9: {  	[dreg:$0x3] =	wrdreg s4  }
0xaa: {  	[dreg:$0x4] =	wrdreg $0xC0  }
0xab: {  	_ =	task [dreg:s6], $0x5FFFF  }
0xac: {  	[dreg:$0x1] =	wrdreg $0xFFFFFFFF  }
0xad: {  	[dreg:$0x0] =	wrdreg $0x60  }
0xae: {  	[dreg:$0x2] =	wrdreg s24  }
0xaf: {  	[dreg:$0x3] =	wrdreg $0x9  }
0xb0: {  	_ =	task.clear_ibuf [dreg:s6], $0x4FFFF;
	_ =	strace $0x90000049  }
0xb1: {  	s29 =	simm.s32 $0x9;
	_ =	strace $0x8000004B  }
0xb2: {  	_ =	swait.ge [sflag:s29], $0x1  }
0xb3: {  	[sflag:s29] =	ssyncadd.s32 $0xFFFFFFFF  }
0xb4: {  	_ =	strace $0x9000004B  }
0xb5: {  	_ =	sfence  }
0xb6: {  	s30 =	sld [smem:$0x0];
	_ =	sdelay $0x2  }
0xb7: {  	s31 =	sshll.u32 s1, $0xD;
	s1 =	sshrl.u32 s1, $0x2  }
0xb8: {  	s3 =	sand.u32 $0x4000, s31;
	s1 =	sadd.s32 s1, s30  }
0xb9: {  	s0 =	sor.u32 s3, s0;
	s1 =	sshll.u32 s1, $0x11  }
0xba: {  	s0 =	sor.u32 s1, s0  }
0xbb: {  	s0 =	sadd.s32 $0x8F2B, s0  }
0xbc: {  	[sflag:s0] =	ssyncadd.remote.s32 $0x1  }
0xbd: {  	_ =	sfence.sel $0xFFFF  }
0xbe: {  	[dreg:$0x0] =	wrdreg $0xFFFFFFFF;
	(pc) =	sbr.abs _section_cstart, $3  }
0xbf: {  	[dreg:$0x1] =	wrdreg $0xFFFFFFFF  }
0xc0: {  	_ =	task.clear_ibuf [dreg:s6], $0x2FFFF;
	_ =	strace $0x9FFFFFFF  }
0xc1: {  	(tm) =	ssettm $0x7FFFFFFF  }
tec
execute0_lowered:
.L_overlay_start_1:
0x0: {  	(tag) =	ssettag $0x1  }
0x1: {  	s0 =	rddreg [dreg:$0x0]  }
0x2: {  	s1 =	srdreg.scid;
	s3 =	stileid.u32  }
0x3: {  	s2 =	simm.s32 $0x0;
	s19 =	simm.s32 $0x2;
	s20 =	simm.s32 $0x3  }
0x4: {  	s21 =	simm.s32 $0x4;
	s23 =	simm.s32 $0x880;
	s28 =	simm.s32 $0x1880  }
0x5: {  	s29 =	simm.s32 $0x2080;
	s30 =	simm.s32 $0x2880;
	s31 =	simm.s32 $0x3080  }
0x6: {  	s10 =	simm.s32 $0x4880;
	s11 =	simm.s32 $0x5080;
	s12 =	simm.s32 $0x5880  }
0x7: {  	s13 =	simm.s32 $0x6080;
	s14 =	simm.s32 $0x6880;
	s15 =	simm.s32 $0x7080  }
0x8: {  	s16 =	simm.s32 $0x7880;
	s17 =	simm.s32 $0x8880;
	s1 =	sand.u32 $0x1, s1  }
0x9: {  	s3 =	sshll.u32 s3, $0x8;
	[smem:$0x7FF] =	sst s2;
	s4 =	sshll.u32 s1, $0x7  }
0xa: {  	s18 =	simm.s32 $0x9080;
	_ =	strace $0x8000004A;
	s4 =	sor.u32 s4, s3  }
0xb: {  	s1 =	ssub.s32 $0x2, s1;
	s3 =	sadd.s32 $0x105400, s0;
	s5 =	sshrl.u32 s4, $0x3  }
0xc: {  	s24 =	sshrl.u32 s1, $0x1;
	s4 =	sshll.u32 s4, $0x7;
	s5 =	sadd.s32 s5, s0  }
0xd: {  	s1 =	ssub.s32 s1, s24;
	s7 =	sadd.s32 s4, s0;
	s5 =	sadd.s32 $0x5200, s5  }
0xe: {  	s24 =	simm.s32 $0x1080;
	s25 =	sadd.s32 $0x5400, s7;
	[dreg:$0x2] =	wrdreg s5  }
0xf: {  	s4 =	sadd.s32 $0x105500, s0;
	s6 =	sadd.s32 $0x6400, s7;
	[dreg:$0x3] =	wrdreg s25  }
0x10: {  	s8 =	sadd.s32 $0x7400, s7;
	s26 =	sadd.s32 $0x8400, s7;
	[dreg:$0x4] =	wrdreg s6  }
0x11: {  	v2 =	vlaneseq.u32;
	s7 =	smax.u32 s1, $0x1;
	s1 =	simm.s32 $0x4080;
	[dreg:$0x5] =	wrdreg s8  }
0x12: {  	vm0 =	vmmov $0xffff;
	v1 =	vshrl.u32 v2, $0x3;
	s5 =	sadd.s32 $0x105600, s0;
	s6 =	sadd.s32 $0x105700, s0;
	[dreg:$0x6] =	wrdreg s26  }
0x13: {  	v0 =	vand.u32 $0x7, v2;
	v2 =	vor.u32 $0x8, v2;
	v1 =	vmul.u32 $0x8, v1;
	s26 =	simm.s32 $0x80;
	s8 =	simm.s32 $0x3880;
	s25 =	simm.s32 $0x8080  }
.LBB2_1:
0x14: {  	s22 =	rddreg [dreg:$0x2];
	s0 =	simm.s32 $0x5  }
0x15: {  	[tilespmem:s2], [sflag:$0x5] =	stream.linear.gather [hbm4b:s22+s2], $0x80, $0x38;
	[tilespmem:$0x10080] =	vst v63  }
0x16: {  	_ =	swait.ge [sflag:s0], $0x80  }
0x17: {  	[sflag:s0] =	ssyncset.done $0x0  }
0x18: {  	[sflag:s0] =	ssyncadd.s32 $0xFFFFFF80  }
0x19: {  	v3 =	vld [tilespmem:$0x0];
	_ =	sdelay $0x4  }
0x1a: {  	v4 =	vshll.u32 v3, $0x3  }
0x1b: {  	v3 =	vand.u32 $0x7, v3;
	v4 =	vand.u32 $0xFFFFFFC0, v4  }
0x1c: {  	v3 =	vor.u32 v3, v4  }
0x1d: {  	v4 =	vperm.xlane v3, v0;
	_ =	sdelay $0x1  }
0x1e: {  	v4 =	vadd.s32 v1, v4;
	_ =	sdelay $0x4  }
0x1f: {  	[tilespmem:s26], [sflag:$0x1] =	stream.indirect_vreg.gather [hbm4b:s3+s2], $0x80, v4, vm0, $0xb8;
	[tilespmem:$0x10080] =	vst v63  }
0x20: {  	v3 =	vperm.xlane v3, v2  }
0x21: {  	[tilespmem:s23], [sflag:$0x1] =	stream.indirect_vreg.gather [hbm4b:s4+s2], $0x80, v4, vm0, $0xb8;
	[tilespmem:$0x10080] =	vst v63  }
0x22: {  	v3 =	vadd.s32 v1, v3  }
0x23: {  	[tilespmem:s24], [sflag:$0x1] =	stream.indirect_vreg.gather [hbm4b:s5+s2], $0x80, v4, vm0, $0xb8;
	[tilespmem:$0x10080] =	vst v63  }
0x24: {  	_ = 	snop  }
0x25: {  	[tilespmem:s28], [sflag:$0x1] =	stream.indirect_vreg.gather [hbm4b:s6+s2], $0x80, v4, vm0, $0xb8;
	[tilespmem:$0x10080] =	vst v63  }
0x26: {  	_ = 	snop  }
0x27: {  	[tilespmem:s29], [sflag:$0x1] =	stream.indirect_vreg.gather [hbm4b:s3+s2], $0x80, v3, vm0, $0xb8;
	[tilespmem:$0x10080] =	vst v63  }
0x28: {  	_ = 	snop  }
0x29: {  	[tilespmem:s30], [sflag:$0x1] =	stream.indirect_vreg.gather [hbm4b:s4+s2], $0x80, v3, vm0, $0xb8;
	[tilespmem:$0x10080] =	vst v63  }
0x2a: {  	_ = 	snop  }
0x2b: {  	[tilespmem:s31], [sflag:$0x1] =	stream.indirect_vreg.gather [hbm4b:s5+s2], $0x80, v3, vm0, $0xb8;
	[tilespmem:$0x10080] =	vst v63  }
0x2c: {  	_ = 	snop  }
0x2d: {  	[tilespmem:s8], [sflag:$0x1] =	stream.indirect_vreg.gather [hbm4b:s6+s2], $0x80, v3, vm0, $0xb8;
	[tilespmem:$0x10080] =	vst v63  }
0x2e: {  	v3 =	vld [tilespmem:$0x10];
	_ =	sdelay $0x4  }
0x2f: {  	v57 =	vshll.u32 v3, $0x3  }
0x30: {  	v3 =	vand.u32 $0x7, v3;
	v4 =	vand.u32 $0xFFFFFFC0, v57  }
0x31: {  	v3 =	vor.u32 v3, v4  }
0x32: {  	v4 =	vperm.xlane v3, v0;
	_ =	sdelay $0x1  }
0x33: {  	v4 =	vadd.s32 v1, v4;
	_ =	sdelay $0x4  }
0x34: {  	[tilespmem:s1], [sflag:$0x1] =	stream.indirect_vreg.gather [hbm4b:s3+s2], $0x80, v4, vm0, $0xb8;
	[tilespmem:$0x10080] =	vst v63  }
0x35: {  	v3 =	vperm.xlane v3, v2  }
0x36: {  	[tilespmem:s10], [sflag:$0x1] =	stream.indirect_vreg.gather [hbm4b:s4+s2], $0x80, v4, vm0, $0xb8;
	[tilespmem:$0x10080] =	vst v63  }
0x37: {  	v3 =	vadd.s32 v1, v3  }
0x38: {  	[tilespmem:s11], [sflag:$0x1] =	stream.indirect_vreg.gather [hbm4b:s5+s2], $0x80, v4, vm0, $0xb8;
	[tilespmem:$0x10080] =	vst v63  }
0x39: {  	_ = 	snop  }
0x3a: {  	[tilespmem:s12], [sflag:$0x1] =	stream.indirect_vreg.gather [hbm4b:s6+s2], $0x80, v4, vm0, $0xb8;
	[tilespmem:$0x10080] =	vst v63  }
0x3b: {  	_ = 	snop  }
0x3c: {  	[tilespmem:s13], [sflag:$0x1] =	stream.indirect_vreg.gather [hbm4b:s3+s2], $0x80, v3, vm0, $0xb8;
	[tilespmem:$0x10080] =	vst v63  }
0x3d: {  	_ = 	snop  }
0x3e: {  	[tilespmem:s14], [sflag:$0x1] =	stream.indirect_vreg.gather [hbm4b:s4+s2], $0x80, v3, vm0, $0xb8;
	[tilespmem:$0x10080] =	vst v63  }
0x3f: {  	_ = 	snop  }
0x40: {  	[tilespmem:s15], [sflag:$0x1] =	stream.indirect_vreg.gather [hbm4b:s5+s2], $0x80, v3, vm0, $0xb8;
	[tilespmem:$0x10080] =	vst v63  }
0x41: {  	s0 =	simm.s32 $0x1  }
0x42: {  	[tilespmem:s16], [sflag:$0x1] =	stream.indirect_vreg.gather [hbm4b:s6+s2], $0x80, v3, vm0, $0xb8;
	[tilespmem:$0x10080] =	vst v63  }
0x43: {  	_ =	swait.ge [sflag:s0], $0x8000  }
0x44: {  	[sflag:s0] =	ssyncset.done $0x0  }
0x45: {  	[sflag:s0] =	ssyncadd.s32 $0xFFFF8000  }
0x46: {  	v3 =	vld [tilespmem:$0x20];
	_ =	sdelay $0x4  }
0x47: {  	v58 =	vshll.u32 v3, $0x3  }
0x48: {  	v3 =	vand.u32 $0x7, v3;
	v4 =	vand.u32 $0xFFFFFFC0, v58  }
0x49: {  	v3 =	vor.u32 v3, v4  }
0x4a: {  	v4 =	vperm.xlane v3, v0;
	_ =	sdelay $0x1  }
0x4b: {  	v4 =	vadd.s32 v1, v4;
	_ =	sdelay $0x4  }
0x4c: {  	[tilespmem:s25], [sflag:$0x2] =	stream.indirect_vreg.gather [hbm4b:s3+s2], $0x80, v4, vm0, $0xb8;
	[tilespmem:$0x10080] =	vst v63  }
0x4d: {  	v3 =	vperm.xlane v3, v2  }
0x4e: {  	[tilespmem:s17], [sflag:$0x2] =	stream.indirect_vreg.gather [hbm4b:s4+s2], $0x80, v4, vm0, $0xb8;
	[tilespmem:$0x10080] =	vst v63  }
0x4f: {  	v3 =	vadd.s32 v1, v3  }
0x50: {  	[tilespmem:s18], [sflag:$0x2] =	stream.indirect_vreg.gather [hbm4b:s5+s2], $0x80, v4, vm0, $0xb8;
	[tilespmem:$0x10080] =	vst v63  }
0x51: {  	s9 =	simm.s32 $0x9880  }
0x52: {  	[tilespmem:s9], [sflag:$0x2] =	stream.indirect_vreg.gather [hbm4b:s6+s2], $0x80, v4, vm0, $0xb8;
	[tilespmem:$0x10080] =	vst v63  }
0x53: {  	s22 =	simm.s32 $0xA080  }
0x54: {  	[tilespmem:s22], [sflag:$0x2] =	stream.indirect_vreg.gather [hbm4b:s3+s2], $0x80, v3, vm0, $0xb8;
	[tilespmem:$0x10080] =	vst v63  }
0x55: {  	s9 =	simm.s32 $0xA880  }
0x56: {  	[tilespmem:s9], [sflag:$0x2] =	stream.indirect_vreg.gather [hbm4b:s4+s2], $0x80, v3, vm0, $0xb8;
	[tilespmem:$0x10080] =	vst v63  }
0x57: {  	s9 =	simm.s32 $0xB080  }
0x58: {  	[tilespmem:s9], [sflag:$0x2] =	stream.indirect_vreg.gather [hbm4b:s5+s2], $0x80, v3, vm0, $0xb8;
	[tilespmem:$0x10080] =	vst v63  }
0x59: {  	s9 =	simm.s32 $0xB880  }
0x5a: {  	[tilespmem:s9], [sflag:$0x2] =	stream.indirect_vreg.gather [hbm4b:s6+s2], $0x80, v3, vm0, $0xb8;
	[tilespmem:$0x10080] =	vst v63  }
0x5b: {  	v3 =	vld [tilespmem:$0x30];
	_ =	sdelay $0x4  }
0x5c: {  	v59 =	vshll.u32 v3, $0x3  }
0x5d: {  	v3 =	vand.u32 $0x7, v3;
	v4 =	vand.u32 $0xFFFFFFC0, v59  }
0x5e: {  	v3 =	vor.u32 v3, v4  }
0x5f: {  	v4 =	vperm.xlane v3, v0;
	_ =	sdelay $0x1  }
0x60: {  	v4 =	vadd.s32 v1, v4;
	_ =	sdelay $0x3  }
0x61: {  	s9 =	simm.s32 $0xC080  }
0x62: {  	[tilespmem:s9], [sflag:$0x2] =	stream.indirect_vreg.gather [hbm4b:s3+s2], $0x80, v4, vm0, $0xb8;
	[tilespmem:$0x10080] =	vst v63  }
0x63: {  	v3 =	vperm.xlane v3, v2;
	s9 =	simm.s32 $0xC880  }
0x64: {  	[tilespmem:s9], [sflag:$0x2] =	stream.indirect_vreg.gather [hbm4b:s4+s2], $0x80, v4, vm0, $0xb8;
	[tilespmem:$0x10080] =	vst v63  }
0x65: {  	v3 =	vadd.s32 v1, v3;
	s9 =	simm.s32 $0xD080  }
0x66: {  	[tilespmem:s9], [sflag:$0x2] =	stream.indirect_vreg.gather [hbm4b:s5+s2], $0x80, v4, vm0, $0xb8;
	[tilespmem:$0x10080] =	vst v63  }
0x67: {  	s9 =	simm.s32 $0xD880  }
0x68: {  	[tilespmem:s9], [sflag:$0x2] =	stream.indirect_vreg.gather [hbm4b:s6+s2], $0x80, v4, vm0, $0xb8;
	[tilespmem:$0x10080] =	vst v63  }
0x69: {  	s9 =	simm.s32 $0xE080  }
0x6a: {  	[tilespmem:s9], [sflag:$0x2] =	stream.indirect_vreg.gather [hbm4b:s3+s2], $0x80, v3, vm0, $0xb8;
	[tilespmem:$0x10080] =	vst v63  }
0x6b: {  	s9 =	simm.s32 $0xE880  }
0x6c: {  	[tilespmem:s9], [sflag:$0x2] =	stream.indirect_vreg.gather [hbm4b:s4+s2], $0x80, v3, vm0, $0xb8;
	[tilespmem:$0x10080] =	vst v63  }
0x6d: {  	s9 =	simm.s32 $0xF080  }
0x6e: {  	[tilespmem:s9], [sflag:$0x2] =	stream.indirect_vreg.gather [hbm4b:s5+s2], $0x80, v3, vm0, $0xb8;
	[tilespmem:$0x10080] =	vst v63  }
0x6f: {  	s9 =	simm.s32 $0xF880  }
0x70: {  	[tilespmem:s9], [sflag:$0x2] =	stream.indirect_vreg.gather [hbm4b:s6+s2], $0x80, v3, vm0, $0xb8;
	[tilespmem:$0x10080] =	vst v63  }
0x71: {  	s22 =	rddreg [dreg:$0x3]  }
0x72: {  	[hbm4b:s22+s2] =	stream.linear.scatter [tilespmem:s26], [sflag:$0x3], $0x8000, $0x38;
	[tilespmem:$0x10080] =	vst v63  }
0x73: {  	_ =	swait.ge [sflag:s19], $0x8000  }
0x74: {  	[sflag:s19] =	ssyncset.done $0x0  }
0x75: {  	[sflag:s19] =	ssyncadd.s32 $0xFFFF8000  }
0x76: {  	_ =	swait.ge [sflag:s20], $0x8000  }
0x77: {  	[sflag:s20] =	ssyncset.done $0x0  }
0x78: {  	[sflag:s20] =	ssyncadd.s32 $0xFFFF8000  }
0x79: {  	v3 =	vld [tilespmem:$0x40];
	_ =	sdelay $0x4  }
0x7a: {  	v60 =	vshll.u32 v3, $0x3  }
0x7b: {  	v3 =	vand.u32 $0x7, v3;
	v4 =	vand.u32 $0xFFFFFFC0, v60  }
0x7c: {  	v3 =	vor.u32 v3, v4  }
0x7d: {  	v4 =	vperm.xlane v3, v0;
	_ =	sdelay $0x1  }
0x7e: {  	v4 =	vadd.s32 v1, v4;
	_ =	sdelay $0x4  }
0x7f: {  	[tilespmem:s26], [sflag:$0x1] =	stream.indirect_vreg.gather [hbm4b:s3+s2], $0x80, v4, vm0, $0xb8;
	[tilespmem:$0x10080] =	vst v63  }
0x80: {  	v3 =	vperm.xlane v3, v2  }
0x81: {  	[tilespmem:s23], [sflag:$0x1] =	stream.indirect_vreg.gather [hbm4b:s4+s2], $0x80, v4, vm0, $0xb8;
	[tilespmem:$0x10080] =	vst v63  }
0x82: {  	v3 =	vadd.s32 v1, v3  }
0x83: {  	[tilespmem:s24], [sflag:$0x1] =	stream.indirect_vreg.gather [hbm4b:s5+s2], $0x80, v4, vm0, $0xb8;
	[tilespmem:$0x10080] =	vst v63  }
0x84: {  	_ = 	snop  }
0x85: {  	[tilespmem:s28], [sflag:$0x1] =	stream.indirect_vreg.gather [hbm4b:s6+s2], $0x80, v4, vm0, $0xb8;
	[tilespmem:$0x10080] =	vst v63  }
0x86: {  	_ = 	snop  }
0x87: {  	[tilespmem:s29], [sflag:$0x1] =	stream.indirect_vreg.gather [hbm4b:s3+s2], $0x80, v3, vm0, $0xb8;
	[tilespmem:$0x10080] =	vst v63  }
0x88: {  	_ = 	snop  }
0x89: {  	[tilespmem:s30], [sflag:$0x1] =	stream.indirect_vreg.gather [hbm4b:s4+s2], $0x80, v3, vm0, $0xb8;
	[tilespmem:$0x10080] =	vst v63  }
0x8a: {  	_ = 	snop  }
0x8b: {  	[tilespmem:s31], [sflag:$0x1] =	stream.indirect_vreg.gather [hbm4b:s5+s2], $0x80, v3, vm0, $0xb8;
	[tilespmem:$0x10080] =	vst v63  }
0x8c: {  	_ = 	snop  }
0x8d: {  	[tilespmem:s8], [sflag:$0x1] =	stream.indirect_vreg.gather [hbm4b:s6+s2], $0x80, v3, vm0, $0xb8;
	[tilespmem:$0x10080] =	vst v63  }
0x8e: {  	v3 =	vld [tilespmem:$0x50];
	_ =	sdelay $0x4  }
0x8f: {  	v61 =	vshll.u32 v3, $0x3  }
0x90: {  	v3 =	vand.u32 $0x7, v3;
	v4 =	vand.u32 $0xFFFFFFC0, v61  }
0x91: {  	v3 =	vor.u32 v3, v4  }
0x92: {  	v4 =	vperm.xlane v3, v0;
	_ =	sdelay $0x1  }
0x93: {  	v4 =	vadd.s32 v1, v4;
	_ =	sdelay $0x4  }
0x94: {  	[tilespmem:s1], [sflag:$0x1] =	stream.indirect_vreg.gather [hbm4b:s3+s2], $0x80, v4, vm0, $0xb8;
	[tilespmem:$0x10080] =	vst v63  }
0x95: {  	v3 =	vperm.xlane v3, v2  }
0x96: {  	[tilespmem:s10], [sflag:$0x1] =	stream.indirect_vreg.gather [hbm4b:s4+s2], $0x80, v4, vm0, $0xb8;
	[tilespmem:$0x10080] =	vst v63  }
0x97: {  	v3 =	vadd.s32 v1, v3  }
0x98: {  	[tilespmem:s11], [sflag:$0x1] =	stream.indirect_vreg.gather [hbm4b:s5+s2], $0x80, v4, vm0, $0xb8;
	[tilespmem:$0x10080] =	vst v63  }
0x99: {  	_ = 	snop  }
0x9a: {  	[tilespmem:s12], [sflag:$0x1] =	stream.indirect_vreg.gather [hbm4b:s6+s2], $0x80, v4, vm0, $0xb8;
	[tilespmem:$0x10080] =	vst v63  }
0x9b: {  	_ = 	snop  }
0x9c: {  	[tilespmem:s13], [sflag:$0x1] =	stream.indirect_vreg.gather [hbm4b:s3+s2], $0x80, v3, vm0, $0xb8;
	[tilespmem:$0x10080] =	vst v63  }
0x9d: {  	_ = 	snop  }
0x9e: {  	[tilespmem:s14], [sflag:$0x1] =	stream.indirect_vreg.gather [hbm4b:s4+s2], $0x80, v3, vm0, $0xb8;
	[tilespmem:$0x10080] =	vst v63  }
0x9f: {  	_ = 	snop  }
0xa0: {  	[tilespmem:s15], [sflag:$0x1] =	stream.indirect_vreg.gather [hbm4b:s5+s2], $0x80, v3, vm0, $0xb8;
	[tilespmem:$0x10080] =	vst v63  }
0xa1: {  	_ = 	snop  }
0xa2: {  	[tilespmem:s16], [sflag:$0x1] =	stream.indirect_vreg.gather [hbm4b:s6+s2], $0x80, v3, vm0, $0xb8;
	[tilespmem:$0x10080] =	vst v63  }
0xa3: {  	s22 =	rddreg [dreg:$0x4]  }
0xa4: {  	[hbm4b:s22+s2] =	stream.linear.scatter [tilespmem:s25], [sflag:$0x4], $0x8000, $0x38;
	[tilespmem:$0x10080] =	vst v63  }
0xa5: {  	_ =	swait.ge [sflag:s0], $0x8000  }
0xa6: {  	[sflag:s0] =	ssyncset.done $0x0  }
0xa7: {  	[sflag:s0] =	ssyncadd.s32 $0xFFFF8000  }
0xa8: {  	_ =	swait.ge [sflag:s21], $0x8000  }
0xa9: {  	[sflag:s21] =	ssyncset.done $0x0  }
0xaa: {  	[sflag:s21] =	ssyncadd.s32 $0xFFFF8000  }
0xab: {  	v3 =	vld [tilespmem:$0x60];
	_ =	sdelay $0x4  }
0xac: {  	v62 =	vshll.u32 v3, $0x3  }
0xad: {  	v3 =	vand.u32 $0x7, v3;
	v4 =	vand.u32 $0xFFFFFFC0, v62  }
0xae: {  	v3 =	vor.u32 v3, v4  }
0xaf: {  	v4 =	vperm.xlane v3, v0;
	_ =	sdelay $0x1  }
0xb0: {  	v4 =	vadd.s32 v1, v4;
	_ =	sdelay $0x4  }
0xb1: {  	[tilespmem:s25], [sflag:$0x2] =	stream.indirect_vreg.gather [hbm4b:s3+s2], $0x80, v4, vm0, $0xb8;
	[tilespmem:$0x10080] =	vst v63  }
0xb2: {  	v3 =	vperm.xlane v3, v2  }
0xb3: {  	[tilespmem:s17], [sflag:$0x2] =	stream.indirect_vreg.gather [hbm4b:s4+s2], $0x80, v4, vm0, $0xb8;
	[tilespmem:$0x10080] =	vst v63  }
0xb4: {  	v3 =	vadd.s32 v1, v3  }
0xb5: {  	[tilespmem:s18], [sflag:$0x2] =	stream.indirect_vreg.gather [hbm4b:s5+s2], $0x80, v4, vm0, $0xb8;
	[tilespmem:$0x10080] =	vst v63  }
0xb6: {  	s22 =	simm.s32 $0x9880  }
0xb7: {  	[tilespmem:s22], [sflag:$0x2] =	stream.indirect_vreg.gather [hbm4b:s6+s2], $0x80, v4, vm0, $0xb8;
	[tilespmem:$0x10080] =	vst v63  }
0xb8: {  	s22 =	simm.s32 $0xA080  }
0xb9: {  	[tilespmem:s22], [sflag:$0x2] =	stream.indirect_vreg.gather [hbm4b:s3+s2], $0x80, v3, vm0, $0xb8;
	[tilespmem:$0x10080] =	vst v63  }
0xba: {  	s22 =	simm.s32 $0xA880  }
0xbb: {  	[tilespmem:s22], [sflag:$0x2] =	stream.indirect_vreg.gather [hbm4b:s4+s2], $0x80, v3, vm0, $0xb8;
	[tilespmem:$0x10080] =	vst v63  }
0xbc: {  	s22 =	simm.s32 $0xB080  }
0xbd: {  	[tilespmem:s22], [sflag:$0x2] =	stream.indirect_vreg.gather [hbm4b:s5+s2], $0x80, v3, vm0, $0xb8;
	[tilespmem:$0x10080] =	vst v63  }
0xbe: {  	s22 =	simm.s32 $0xB880  }
0xbf: {  	[tilespmem:s22], [sflag:$0x2] =	stream.indirect_vreg.gather [hbm4b:s6+s2], $0x80, v3, vm0, $0xb8;
	[tilespmem:$0x10080] =	vst v63  }
0xc0: {  	v3 =	vld [tilespmem:$0x70];
	_ =	sdelay $0x4  }
0xc1: {  	v63 =	vshll.u32 v3, $0x3  }
0xc2: {  	v3 =	vand.u32 $0x7, v3;
	v4 =	vand.u32 $0xFFFFFFC0, v63  }
0xc3: {  	v3 =	vor.u32 v3, v4  }
0xc4: {  	v4 =	vperm.xlane v3, v0;
	_ =	sdelay $0x1  }
0xc5: {  	v4 =	vadd.s32 v1, v4;
	_ =	sdelay $0x3  }
0xc6: {  	s22 =	simm.s32 $0xC080  }
0xc7: {  	[tilespmem:s22], [sflag:$0x2] =	stream.indirect_vreg.gather [hbm4b:s3+s2], $0x80, v4, vm0, $0xb8;
	[tilespmem:$0x10080] =	vst v63  }
0xc8: {  	v3 =	vperm.xlane v3, v2;
	s22 =	simm.s32 $0xC880  }
0xc9: {  	[tilespmem:s22], [sflag:$0x2] =	stream.indirect_vreg.gather [hbm4b:s4+s2], $0x80, v4, vm0, $0xb8;
	[tilespmem:$0x10080] =	vst v63  }
0xca: {  	v3 =	vadd.s32 v1, v3;
	s22 =	simm.s32 $0xD080  }
0xcb: {  	[tilespmem:s22], [sflag:$0x2] =	stream.indirect_vreg.gather [hbm4b:s5+s2], $0x80, v4, vm0, $0xb8;
	[tilespmem:$0x10080] =	vst v63  }
0xcc: {  	s22 =	simm.s32 $0xD880  }
0xcd: {  	[tilespmem:s22], [sflag:$0x2] =	stream.indirect_vreg.gather [hbm4b:s6+s2], $0x80, v4, vm0, $0xb8;
	[tilespmem:$0x10080] =	vst v63  }
0xce: {  	s22 =	simm.s32 $0xE080  }
0xcf: {  	[tilespmem:s22], [sflag:$0x2] =	stream.indirect_vreg.gather [hbm4b:s3+s2], $0x80, v3, vm0, $0xb8;
	[tilespmem:$0x10080] =	vst v63  }
0xd0: {  	s22 =	simm.s32 $0xE880  }
0xd1: {  	[tilespmem:s22], [sflag:$0x2] =	stream.indirect_vreg.gather [hbm4b:s4+s2], $0x80, v3, vm0, $0xb8;
	[tilespmem:$0x10080] =	vst v63  }
0xd2: {  	s22 =	simm.s32 $0xF080  }
0xd3: {  	[tilespmem:s22], [sflag:$0x2] =	stream.indirect_vreg.gather [hbm4b:s5+s2], $0x80, v3, vm0, $0xb8;
	[tilespmem:$0x10080] =	vst v63  }
0xd4: {  	s9 =	simm.s32 $0xF880  }
0xd5: {  	[tilespmem:s9], [sflag:$0x2] =	stream.indirect_vreg.gather [hbm4b:s6+s2], $0x80, v3, vm0, $0xb8;
	[tilespmem:$0x10080] =	vst v63  }
0xd6: {  	s0 =	rddreg [dreg:$0x5]  }
0xd7: {  	[hbm4b:s0+s2] =	stream.linear.scatter [tilespmem:s26], [sflag:$0x3], $0x8000, $0x38;
	[tilespmem:$0x10080] =	vst v63  }
0xd8: {  	_ =	swait.ge [sflag:s19], $0x8000  }
0xd9: {  	[sflag:s19] =	ssyncset.done $0x0  }
0xda: {  	s9 =	rddreg [dreg:$0x6];
	[sflag:s19] =	ssyncadd.s32 $0xFFFF8000  }
0xdb: {  	[hbm4b:s9+s2] =	stream.linear.scatter [tilespmem:s25], [sflag:$0x4], $0x8000, $0x38;
	[tilespmem:$0x10080] =	vst v63  }
0xdc: {  	p0 =	sne.s32 s7, $0x1;
	_ =	swait.ge [sflag:s21], $0x8000  }
.Ltmp0:
0xdd: {  	[sflag:s21] =	ssyncset.done $0x0;
	(pc) =	sbr.rel @p0 .LBB2_1-.Ltmp0, $4  }
0xde: {  	[sflag:s21] =	ssyncadd.s32 $0xFFFF8000  }
0xdf: {  	_ =	swait.ge [sflag:s20], $0x8000  }
0xe0: {  	[sflag:s20] =	ssyncset.done $0x0  }
0xe1: {  	s7 =	sadd.s32 $0xFFFFFFFF, s7;
	[sflag:s20] =	ssyncadd.s32 $0xFFFF8000  }
0xe2: {  	_ =	sfence.sel $0x180000  }
0xe3: {  	[bflag:$0x0] =	sbarrier.arrive $0xFFFF  }
0xe4: {  	_ =	strace $0x9000004A  }
0xe5: {  	s0 =	stileid.u32;
	[bflag:$0x2] =	sbarrier.arrive $0xFFFF  }
0xe6: {  	p0 =	sne.s32 s0, $0x0;
	s0 =	rddreg [dreg:$0x1]  }
0xe7: {  	s0 =	sadd.s32 @!p0 $0x100000, s0  }
0xe8: {  	[sflag:s0] =	ssyncadd.tile.s32 @!p0 $0x1;
	_ =	shalt  }
.Lfunc_end2:
_tile_overlayer_lowered:
.L_overlay_start_2:
0xe9: {  	(tag) =	ssettag $0x2  }
0xea: {  	s0 =	rddreg [dreg:$0x0];
	s2 =	stileid.u32  }
0xeb: {  	s1 =	rddreg [dreg:$0x1];
	p0 =	sne.s32 s2, $0x0  }
0xec: {  	s3 =	rddreg [dreg:$0x2];
	[bflag:$0x3] =	sbarrier.arrive $0xFFFF;
	s2 =	simm.s32 @!p0 $0x1C05  }
0xed: {  	[timem:s3], [sflag:s2] =	dma.local @!p0 [hbm:s0], s1  }
0xee: {  	s0 =	simm.s32 @!p0 $0x5  }
0xef: {  	_ =	swait.ge @!p0 [sflag:s0], s1  }
0xf0: {  	s1 =	ssub.s32 @!p0 $0x0, s1;
	[sflag:s0] =	ssyncset.done @!p0 $0x0  }
0xf1: {  	[sflag:s0] =	ssyncadd.s32 @!p0 s1  }
0xf2: {  	[bflag:$0x3] =	sbarrier.arrive $0xFFFF  }
0xf3: {  	_ =	shalt  }

// kernel: kernel.7.cloned.1.call-start
scs
__scs_entry_jumppad:
0x0: {  	(pc) =	sbr.rel $0x88, $3  }
0x1: {  	(tag) =	ssettag $0x0;
	lr =	simm.s32 $0x1  }
0x2: {  	[smem:$0x3F9C] =	sst lr;
	_ =	strace $0xD0000000  }
0x3: {  	_ = 	snop  }
0x4: {  	_ = 	snop  }
0x5: {  	_ = 	snop  }
0x6: {  	_ = 	snop  }
0x7: {  	_ = 	snop  }
__scs_overlays_trampoline_lowered:
0x8: {  	[smem:$0x3FAB] =	sst s0  }
0x9: {  	[smem:$0x3FAC] =	sst s1  }
0xa: {  	[smem:$0x3FAD] =	sst s2  }
0xb: {  	[smem:$0x3FAE] =	sst s3  }
0xc: {  	[smem:$0x3FAF] =	sst s4  }
0xd: {  	[smem:$0x3FB0] =	sst s5  }
0xe: {  	[smem:$0x3FB1] =	sst s6  }
0xf: {  	[smem:$0x3FB2] =	sst s7  }
0x10: {  	[smem:$0x3FB3] =	sst s8  }
0x11: {  	[smem:$0x3FB4] =	sst s9;
	s0 =	simm.s32 @!p0 $0x0  }
0x12: {  	s1 =	sld [smem:$0x3F9A];
	s0 =	simm.s32 @p0 $0x1  }
0x13: {  	[smem:$0x3FB5] =	sst s0;
	s0 =	simm.s32 @!p1 $0x0  }
0x14: {  	s2 =	sld [smem:$0x3F99];
	s0 =	simm.s32 @p1 $0x1  }
0x15: {  	[smem:$0x3FB6] =	sst s0;
	s0 =	simm.s32 @!p2 $0x0  }
0x16: {  	s3 =	sld [smem:$0x3FDB];
	s0 =	simm.s32 @p2 $0x1  }
0x17: {  	s4 =	simm.s32 $0x1BF5;
	[smem:$0x3FB8] =	sst s0  }
0x18: {  	s0 =	sld [smem:$0x3F9B];
	_ =	swait.ge [sflag:s4], $0x0  }
0x19: {  	s7 =	sld [smem:$0x3F9C]  }
0x1a: {  	s8 =	sadd.s32 $0xFFFFE003, lr  }
0x1b: {  	s9 =	sadd.s32 $0xFFFFFEF7, lr;
	s5 =	simm.s32 $0xFFFFFFFF;
	p2 =	slt.u32 s8, $0xFFFFF086  }
0x1c: {  	p1 =	slt.u32 s9, $0xF7A;
	s5 =	simm.s32 @!p2 $0x0  }
0x1d: {  	s5 =	simm.s32 @p1 $0x1;
	p0 =	seq.s32 s7, s2  }
0x1e: {  	s7 =	smul.u32 @!p0 $0xF7A, s2;
	p2 =	seq.s32 @!p0 s5, $0x0  }
0x1f: {  	s9 =	smul.u32 $0xF7A, s1;
	s8 =	simm.s32 @!p0 $0x1BF5;
	p2 =	por !p2, p0  }
0x20: {  	[sflag:s8] =	ssyncset.s32 @!p0 $0xFFFFF086;
	s6 =	sadd.s32 @!p0 s3, s7;
	s7 =	simm.s32 @!p0 $0x108  }
0x21: {  	s3 =	sadd.s32 s3, s9;
	s6 =	sadd.s32 @!p0 $0x88, s6;
	s7 =	simm.s32 @p2 $0x1082  }
0x22: {  	[simem:s7], [sflag:s8] =	dma.local @!p0 [hbm:s6], $0xF7A  }
0x23: {  	s9 =	sor.u32 $0xD0000000, s2;
	s6 =	simm.s32 $0x108;
	_ =	swait.ge @!p0 [sflag:s8], $0x0  }
0x24: {  	s3 =	sadd.s32 $0x88, s3;
	s6 =	simm.s32 @!p1 $0x1082;
	[sflag:s4] =	ssyncset.s32 $0xFFFFF086  }
0x25: {  	[simem:s6], [sflag:s4] =	dma.local [hbm:s3], $0xF7A  }
0x26: {  	[smem:$0x3F9C] =	sst s1;
	(tag) =	ssettag s2;
	_ =	strace s9  }
0x27: {  	s1 =	sld [smem:$0x3FAC]  }
0x28: {  	s2 =	sld [smem:$0x3FAD]  }
0x29: {  	s4 =	sld [smem:$0x3FAF]  }
0x2a: {  	p0 =	seq.s32 s5, $0x0;
	s5 =	sld [smem:$0x3FB0]  }
0x2b: {  	s6 =	sld [smem:$0x3FB1]  }
0x2c: {  	s7 =	sld [smem:$0x3FB2]  }
0x2d: {  	s3 =	simm.s32 $0x108;
	s8 =	sld [smem:$0x3FB3]  }
0x2e: {  	s3 =	simm.s32 @!p0 $0x1082;
	s9 =	sld [smem:$0x3FB4]  }
0x2f: {  	lr =	sadd.s32 s0, s3;
	s0 =	sld [smem:$0x3FAB]  }
0x30: {  	s3 =	sld [smem:$0x3FAE]  }
0x31: {  	[smem:$0x3FB7] =	sst s10  }
0x32: {  	s10 =	sld [smem:$0x3FB5];
	_ =	sdelay $0x3  }
0x33: {  	p0 =	seq.s32 s10, $0x1;
	s10 =	sld [smem:$0x3FB7];
	_ =	sdelay $0x3  }
0x34: {  	[smem:$0x3FB7] =	sst s10  }
0x35: {  	s10 =	sld [smem:$0x3FB6];
	_ =	sdelay $0x3  }
0x36: {  	p1 =	seq.s32 s10, $0x1;
	s10 =	sld [smem:$0x3FB7];
	_ =	sdelay $0x3  }
0x37: {  	[smem:$0x3FB7] =	sst s10  }
0x38: {  	s10 =	sld [smem:$0x3FB8]  }
0x39: {  	_ = 	snop;
	(pc) =	sbr.ind lr, $3  }
0x3a: {  	_ = 	snop  }
0x3b: {  	_ = 	snop  }
0x3c: {  	p2 =	seq.s32 s10, $0x1;
	s10 =	sld [smem:$0x3FB7]  }
0x3d: {  	_ =	shalt  }
0x3e: {  	_ =	shalt  }
0x3f: {  	_ =	shalt  }
0x40: {  	_ =	shalt  }
0x41: {  	_ =	shalt  }
0x42: {  	_ =	shalt  }
0x43: {  	_ =	shalt  }
0x44: {  	_ =	shalt  }
0x45: {  	_ =	shalt  }
0x46: {  	_ =	shalt  }
0x47: {  	_ =	shalt  }
0x48: {  	_ =	shalt  }
0x49: {  	_ =	shalt  }
0x4a: {  	_ =	shalt  }
0x4b: {  	_ =	shalt  }
0x4c: {  	_ =	shalt  }
0x4d: {  	_ =	shalt  }
0x4e: {  	_ =	shalt  }
0x4f: {  	_ =	shalt  }
0x50: {  	_ =	shalt  }
0x51: {  	_ =	shalt  }
0x52: {  	_ =	shalt  }
0x53: {  	_ =	shalt  }
0x54: {  	_ =	shalt  }
0x55: {  	_ =	shalt  }
0x56: {  	_ =	shalt  }
0x57: {  	_ =	shalt  }
0x58: {  	_ =	shalt  }
0x59: {  	_ =	shalt  }
0x5a: {  	_ =	shalt  }
0x5b: {  	_ =	shalt  }
0x5c: {  	_ =	shalt  }
0x5d: {  	_ =	shalt  }
0x5e: {  	_ =	shalt  }
0x5f: {  	_ =	shalt  }
0x60: {  	_ =	shalt  }
0x61: {  	_ =	shalt  }
0x62: {  	_ =	shalt  }
0x63: {  	_ =	shalt  }
0x64: {  	_ =	shalt  }
0x65: {  	_ =	shalt  }
0x66: {  	_ =	shalt  }
0x67: {  	_ =	shalt  }
0x68: {  	_ =	shalt  }
0x69: {  	_ =	shalt  }
0x6a: {  	_ =	shalt  }
0x6b: {  	_ =	shalt  }
0x6c: {  	_ =	shalt  }
0x6d: {  	_ =	shalt  }
0x6e: {  	_ =	shalt  }
0x6f: {  	_ =	shalt  }
0x70: {  	_ =	shalt  }
0x71: {  	_ =	shalt  }
0x72: {  	_ =	shalt  }
0x73: {  	_ =	shalt  }
0x74: {  	_ =	shalt  }
0x75: {  	_ =	shalt  }
0x76: {  	_ =	shalt  }
0x77: {  	_ =	shalt  }
0x78: {  	_ =	shalt  }
0x79: {  	_ =	shalt  }
0x7a: {  	_ =	shalt  }
0x7b: {  	_ =	shalt  }
0x7c: {  	_ =	shalt  }
0x7d: {  	_ =	shalt  }
0x7e: {  	_ =	shalt  }
0x7f: {  	_ =	shalt  }
0x80: {  	_ =	shalt  }
0x81: {  	_ =	shalt  }
0x82: {  	_ =	shalt  }
0x83: {  	_ =	shalt  }
0x84: {  	_ =	shalt  }
0x85: {  	_ =	shalt  }
0x86: {  	_ =	shalt  }
0x87: {  	_ =	shalt  }
.Lfunc_end0:
.L_simem_size_0:
called_computation_lowered:
.L_overlay_start_0:
0x88: {  	s2 =	sld [smem:$0x3FD9]  }
0x89: {  	s3 =	sld [smem:$0x3FFE];
	_ =	sdelay $0x1  }
0x8a: {  	s1 =	srdreg.scid  }
0x8b: {  	s0 =	sand.u32 $0x1, s1  }
0x8c: {  	s17 =	sshll.u32 s0, $0xA;
	s2 =	sadd.s32 s3, s2  }
0x8d: {  	s2 =	sadd.s32 s2, s17  }
0x8e: {  	[smem:$0x3FC3] =	sst s2  }
0x8f: {  	_ = 	snop  }
0x90: {  	s2 =	sld [smem:$0x3FC9];
	(tm) =	ssettm $0x1  }
0x91: {  	s18 =	sld [smem:$0x3FFB];
	_ =	sdelay $0x3  }
0x92: {  	_ =	strace s18  }
0x93: {  	s3 =	sld [smem:$0x3FFC];
	_ =	sdelay $0x3  }
0x94: {  	_ =	strace s3  }
0x95: {  	s3 =	sld [smem:$0x3FFD];
	_ =	sdelay $0x3  }
0x96: {  	_ =	strace s3  }
0x97: {  	_ =	strace $0x8FFFFFFF  }
0x98: {  	s19 =	sld [smem:$0x3FDB];
	_ =	sdelay $0x1  }
0x99: {  	s4 =	simm.s32 $_scs_section_size  }
0x9a: {  	s5 =	simm.s32 $_size__tile_overlayer_lowered;
	s6 =	simm.s32 $_tile_overlayer_lowered  }
0x9b: {  	s22 =	simm.s32 $0x1BFF;
	s21 =	sshll.u32 s6, $0x1;
	s3 =	sadd.s32 s4, s19  }
0x9c: {  	s7 =	simm.s32 $0x0;
	s20 =	sshll.u32 s5, $0x1;
	s5 =	sadd.s32 s21, s3  }
0x9d: {  	[timem:s7], [sflag:s22] =	dma.local [hbm:s5], s20  }
0x9e: {  	_ =	swait.ge [sflag:s22], s20  }
0x9f: {  	s4 =	ssub.s32 $0x0, s20;
	[sflag:s22] =	ssyncset.done $0x0  }
0xa0: {  	[sflag:s22] =	ssyncadd.s32 s4;
	_ =	sdelay $0x1  }
0xa1: {  	s23 =	simm.s32 $0x1B8B  }
0xa2: {  	_ =	swait.ge [sflag:s23], $0x1  }
0xa3: {  	[sflag:s23] =	ssyncset.done $0x0  }
0xa4: {  	s25 =	simm.s32 $0x1B8E;
	s24 =	sld [smem:$0x3FFE];
	[sflag:s23] =	ssyncadd.s32 $0xFFFFFFFF  }
0xa5: {  	s26 =	simm.s32 $execute0_lowered;
	[smem:$0x3FD2] =	sst s25  }
0xa6: {  	s5 =	sshll.u32 s26, $0x1;
	_ =	strace $0x80000046;
	[dreg:$0x1] =	wrdreg $0xFFFFFFFF  }
0xa7: {  	s28 =	simm.s32 $_size_execute0_lowered;
	s3 =	sadd.s32 s3, s5;
	[dreg:$0x0] =	wrdreg $0x0  }
0xa8: {  	s5 =	sshll.u32 s28, $0x1;
	[dreg:$0x2] =	wrdreg s3  }
0xa9: {  	[dreg:$0x3] =	wrdreg s5  }
0xaa: {  	[dreg:$0x4] =	wrdreg $0xC0  }
0xab: {  	_ =	task [dreg:s7], $0x5FFFF  }
0xac: {  	[dreg:$0x1] =	wrdreg $0xFFFFFFFF  }
0xad: {  	[dreg:$0x0] =	wrdreg $0x60  }
0xae: {  	[dreg:$0x2] =	wrdreg s2  }
0xaf: {  	[dreg:$0x3] =	wrdreg s24  }
0xb0: {  	[dreg:$0x4] =	wrdreg $0x9  }
0xb1: {  	_ =	task.clear_ibuf [dreg:s7], $0x5FFFF;
	_ =	strace $0x90000046  }
0xb2: {  	s29 =	simm.s32 $0x9;
	_ =	strace $0x80000048  }
0xb3: {  	_ =	swait.ge [sflag:s29], $0x1  }
0xb4: {  	[sflag:s29] =	ssyncadd.s32 $0xFFFFFFFF  }
0xb5: {  	_ =	strace $0x90000048  }
0xb6: {  	_ =	sfence  }
0xb7: {  	s30 =	sld [smem:$0x0];
	_ =	sdelay $0x2  }
0xb8: {  	s31 =	sshll.u32 s1, $0xD;
	s1 =	sshrl.u32 s1, $0x2  }
0xb9: {  	s3 =	sand.u32 $0x4000, s31;
	s1 =	sadd.s32 s1, s30  }
0xba: {  	s0 =	sor.u32 s3, s0;
	s1 =	sshll.u32 s1, $0x11  }
0xbb: {  	s0 =	sor.u32 s1, s0  }
0xbc: {  	s0 =	sadd.s32 $0x8F2B, s0  }
0xbd: {  	[sflag:s0] =	ssyncadd.remote.s32 $0x1  }
0xbe: {  	_ =	sfence.sel $0xFFFF  }
0xbf: {  	[dreg:$0x0] =	wrdreg $0xFFFFFFFF;
	(pc) =	sbr.abs _section_cstart, $3  }
0xc0: {  	[dreg:$0x1] =	wrdreg $0xFFFFFFFF  }
0xc1: {  	_ =	task.clear_ibuf [dreg:s7], $0x2FFFF;
	_ =	strace $0x9FFFFFFF  }
0xc2: {  	(tm) =	ssettm $0x7FFFFFFF  }
0xc3: {  	_ =	shalt  }
tec
execute0_lowered:
.L_overlay_start_1:
0x0: {  	(tag) =	ssettag $0x1  }
0x1: {  	s0 =	srdreg.scid  }
0x2: {  	s1 =	rddreg [dreg:$0x0];
	s2 =	stileid.u32  }
0x3: {  	s6 =	rddreg [dreg:$0x1];
	s26 =	simm.s32 $0x80;
	s18 =	simm.s32 $0x100  }
0x4: {  	s22 =	simm.s32 $0x1900;
	s23 =	simm.s32 $0x2100;
	s24 =	simm.s32 $0x2900  }
0x5: {  	s25 =	simm.s32 $0x3100;
	s28 =	simm.s32 $0x4100;
	s29 =	simm.s32 $0x4900  }
0x6: {  	s30 =	simm.s32 $0x5100;
	s31 =	simm.s32 $0x5900;
	s10 =	simm.s32 $0x7100  }
0x7: {  	s11 =	simm.s32 $0x7900;
	s12 =	simm.s32 $0x8100;
	s13 =	simm.s32 $0x8900  }
0x8: {  	s14 =	simm.s32 $0x9100;
	s15 =	simm.s32 $0x9900;
	s16 =	simm.s32 $0xA100  }
0x9: {  	s17 =	simm.s32 $0xA900;
	s9 =	simm.s32 $0xB100;
	s19 =	simm.s32 $0xB900  }
0xa: {  	s0 =	sand.u32 $0x1, s0;
	s3 =	sshll.u32 s2, $0x7;
	s2 =	simm.s32 $0x0  }
0xb: {  	s4 =	sshll.u32 s0, $0x6;
	[smem:$0x7FF] =	sst s2;
	s0 =	ssub.s32 $0x2, s0  }
0xc: {  	s4 =	sor.u32 s4, s3;
	_ =	strace $0x80000047;
	s7 =	sshrl.u32 s0, $0x1  }
0xd: {  	[dreg:$0x6] =	wrdreg s26;
	s3 =	sshrl.u32 s4, $0x3;
	s4 =	sshll.u32 s4, $0x7  }
0xe: {  	s26 =	simm.s32 $0x3900;
	s5 =	sadd.s32 s3, s6;
	s1 =	sadd.s32 s1, s4  }
0xf: {  	s0 =	ssub.s32 s0, s7;
	s8 =	sadd.s32 $0x5200, s5;
	[dreg:$0x5] =	wrdreg s1  }
0x10: {  	v2 =	vlaneseq.u32;
	s3 =	sadd.s32 $0x5400, s6;
	s5 =	sadd.s32 $0x5300, s5;
	[dreg:$0x3] =	wrdreg s8  }
0x11: {  	vm0 =	vmmov $0xffff;
	v1 =	vshrl.u32 v2, $0x3;
	s4 =	sadd.s32 $0x5500, s6;
	s7 =	smax.u32 s0, $0x1;
	[dreg:$0x4] =	wrdreg s5  }
0x12: {  	v0 =	vand.u32 $0x7, v2;
	v2 =	vor.u32 $0x8, v2;
	v1 =	vmul.u32 $0x8, v1;
	s5 =	sadd.s32 $0x5600, s6;
	s6 =	sadd.s32 $0x5700, s6;
	s8 =	simm.s32 $0x3  }
.LBB2_1:
0x13: {  	s20 =	rddreg [dreg:$0x3]  }
0x14: {  	[tilespmem:s2], [sflag:$0x3] =	stream.linear.gather [hbm4b:s20+s2], $0x40, $0x38;
	[tilespmem:$0x10100] =	vst v63  }
0x15: {  	_ =	swait.ge [sflag:s8], $0x40  }
0x16: {  	s0 =	rddreg [dreg:$0x4];
	[sflag:s8] =	ssyncset.done $0x0  }
0x17: {  	s21 =	rddreg [dreg:$0x6];
	[sflag:s8] =	ssyncadd.s32 $0xFFFFFFC0  }
0x18: {  	[tilespmem:s21], [sflag:$0x3] =	stream.linear.gather [hbm4b:s0+s2], $0x40, $0x38;
	[tilespmem:$0x10100] =	vst v63  }
0x19: {  	_ =	swait.ge [sflag:s8], $0x40  }
0x1a: {  	[sflag:s8] =	ssyncset.done $0x0  }
0x1b: {  	s1 =	rddreg [dreg:$0x5];
	[sflag:s8] =	ssyncadd.s32 $0xFFFFFFC0  }
0x1c: {  	[tilespmem:s18], [sflag:$0x3] =	stream.linear.gather [hbm4b:s1+s2], $0x10000, $0x38;
	[tilespmem:$0x10100] =	vst v63  }
0x1d: {  	_ =	swait.ge [sflag:s8], $0x10000  }
0x1e: {  	[sflag:s8] =	ssyncset.done $0x0  }
0x1f: {  	[sflag:s8] =	ssyncadd.s32 $0xFFFF0000  }
0x20: {  	v3 =	vld [tilespmem:$0x0];
	_ =	sdelay $0x4  }
0x21: {  	v4 =	vshll.u32 v3, $0x3  }
0x22: {  	v3 =	vand.u32 $0x7, v3;
	v4 =	vand.u32 $0xFFFFFFC0, v4  }
0x23: {  	v3 =	vor.u32 v3, v4  }
0x24: {  	v4 =	vperm.xlane v3, v0;
	_ =	sdelay $0x1  }
0x25: {  	v4 =	vadd.s32 v1, v4;
	_ =	sdelay $0x4  }
0x26: {  	[hbm4b:s3+s2] =	stream.indirect_vreg.scatter [tilespmem:s18], [sflag:$0x1], $0x80, v4, vm0, $0xb8;
	[tilespmem:$0x10100] =	vst v63  }
0x27: {  	s20 =	simm.s32 $0x900;
	v3 =	vperm.xlane v3, v2  }
0x28: {  	[hbm4b:s4+s2] =	stream.indirect_vreg.scatter [tilespmem:s20], [sflag:$0x1], $0x80, v4, vm0, $0xb8;
	[tilespmem:$0x10100] =	vst v63  }
0x29: {  	s21 =	simm.s32 $0x1100;
	v3 =	vadd.s32 v1, v3  }
0x2a: {  	[hbm4b:s5+s2] =	stream.indirect_vreg.scatter [tilespmem:s21], [sflag:$0x1], $0x80, v4, vm0, $0xb8;
	[tilespmem:$0x10100] =	vst v63  }
0x2b: {  	_ = 	snop  }
0x2c: {  	[hbm4b:s6+s2] =	stream.indirect_vreg.scatter [tilespmem:s22], [sflag:$0x1], $0x80, v4, vm0, $0xb8;
	[tilespmem:$0x10100] =	vst v63  }
0x2d: {  	_ = 	snop  }
0x2e: {  	[hbm4b:s3+s2] =	stream.indirect_vreg.scatter [tilespmem:s23], [sflag:$0x1], $0x80, v3, vm0, $0xb8;
	[tilespmem:$0x10100] =	vst v63  }
0x2f: {  	_ = 	snop  }
0x30: {  	[hbm4b:s4+s2] =	stream.indirect_vreg.scatter [tilespmem:s24], [sflag:$0x1], $0x80, v3, vm0, $0xb8;
	[tilespmem:$0x10100] =	vst v63  }
0x31: {  	_ = 	snop  }
0x32: {  	[hbm4b:s5+s2] =	stream.indirect_vreg.scatter [tilespmem:s25], [sflag:$0x1], $0x80, v3, vm0, $0xb8;
	[tilespmem:$0x10100] =	vst v63  }
0x33: {  	_ = 	snop  }
0x34: {  	[hbm4b:s6+s2] =	stream.indirect_vreg.scatter [tilespmem:s26], [sflag:$0x1], $0x80, v3, vm0, $0xb8;
	[tilespmem:$0x10100] =	vst v63  }
0x35: {  	v3 =	vld [tilespmem:$0x10];
	_ =	sdelay $0x4  }
0x36: {  	v57 =	vshll.u32 v3, $0x3  }
0x37: {  	v3 =	vand.u32 $0x7, v3;
	v4 =	vand.u32 $0xFFFFFFC0, v57  }
0x38: {  	v3 =	vor.u32 v3, v4  }
0x39: {  	v4 =	vperm.xlane v3, v0;
	_ =	sdelay $0x1  }
0x3a: {  	v4 =	vadd.s32 v1, v4;
	_ =	sdelay $0x4  }
0x3b: {  	[hbm4b:s3+s2] =	stream.indirect_vreg.scatter [tilespmem:s28], [sflag:$0x1], $0x80, v4, vm0, $0xb8;
	[tilespmem:$0x10100] =	vst v63  }
0x3c: {  	v3 =	vperm.xlane v3, v2  }
0x3d: {  	[hbm4b:s4+s2] =	stream.indirect_vreg.scatter [tilespmem:s29], [sflag:$0x1], $0x80, v4, vm0, $0xb8;
	[tilespmem:$0x10100] =	vst v63  }
0x3e: {  	v3 =	vadd.s32 v1, v3  }
0x3f: {  	[hbm4b:s5+s2] =	stream.indirect_vreg.scatter [tilespmem:s30], [sflag:$0x1], $0x80, v4, vm0, $0xb8;
	[tilespmem:$0x10100] =	vst v63  }
0x40: {  	_ = 	snop  }
0x41: {  	[hbm4b:s6+s2] =	stream.indirect_vreg.scatter [tilespmem:s31], [sflag:$0x1], $0x80, v4, vm0, $0xb8;
	[tilespmem:$0x10100] =	vst v63  }
0x42: {  	s1 =	simm.s32 $0x6100  }
0x43: {  	[hbm4b:s3+s2] =	stream.indirect_vreg.scatter [tilespmem:s1], [sflag:$0x1], $0x80, v3, vm0, $0xb8;
	[tilespmem:$0x10100] =	vst v63  }
0x44: {  	s0 =	simm.s32 $0x6900  }
0x45: {  	[hbm4b:s4+s2] =	stream.indirect_vreg.scatter [tilespmem:s0], [sflag:$0x1], $0x80, v3, vm0, $0xb8;
	[tilespmem:$0x10100] =	vst v63  }
0x46: {  	_ = 	snop  }
0x47: {  	[hbm4b:s5+s2] =	stream.indirect_vreg.scatter [tilespmem:s10], [sflag:$0x1], $0x80, v3, vm0, $0xb8;
	[tilespmem:$0x10100] =	vst v63  }
0x48: {  	_ = 	snop  }
0x49: {  	[hbm4b:s6+s2] =	stream.indirect_vreg.scatter [tilespmem:s11], [sflag:$0x1], $0x80, v3, vm0, $0xb8;
	[tilespmem:$0x10100] =	vst v63  }
0x4a: {  	v3 =	vld [tilespmem:$0x20];
	_ =	sdelay $0x4  }
0x4b: {  	v58 =	vshll.u32 v3, $0x3  }
0x4c: {  	v3 =	vand.u32 $0x7, v3;
	v4 =	vand.u32 $0xFFFFFFC0, v58  }
0x4d: {  	v3 =	vor.u32 v3, v4  }
0x4e: {  	v4 =	vperm.xlane v3, v0;
	_ =	sdelay $0x1  }
0x4f: {  	v4 =	vadd.s32 v1, v4;
	_ =	sdelay $0x4  }
0x50: {  	[hbm4b:s3+s2] =	stream.indirect_vreg.scatter [tilespmem:s12], [sflag:$0x1], $0x80, v4, vm0, $0xb8;
	[tilespmem:$0x10100] =	vst v63  }
0x51: {  	v3 =	vperm.xlane v3, v2  }
0x52: {  	[hbm4b:s4+s2] =	stream.indirect_vreg.scatter [tilespmem:s13], [sflag:$0x1], $0x80, v4, vm0, $0xb8;
	[tilespmem:$0x10100] =	vst v63  }
0x53: {  	v3 =	vadd.s32 v1, v3  }
0x54: {  	[hbm4b:s5+s2] =	stream.indirect_vreg.scatter [tilespmem:s14], [sflag:$0x1], $0x80, v4, vm0, $0xb8;
	[tilespmem:$0x10100] =	vst v63  }
0x55: {  	_ = 	snop  }
0x56: {  	[hbm4b:s6+s2] =	stream.indirect_vreg.scatter [tilespmem:s15], [sflag:$0x1], $0x80, v4, vm0, $0xb8;
	[tilespmem:$0x10100] =	vst v63  }
0x57: {  	_ = 	snop  }
0x58: {  	[hbm4b:s3+s2] =	stream.indirect_vreg.scatter [tilespmem:s16], [sflag:$0x1], $0x80, v3, vm0, $0xb8;
	[tilespmem:$0x10100] =	vst v63  }
0x59: {  	_ = 	snop  }
0x5a: {  	[hbm4b:s4+s2] =	stream.indirect_vreg.scatter [tilespmem:s17], [sflag:$0x1], $0x80, v3, vm0, $0xb8;
	[tilespmem:$0x10100] =	vst v63  }
0x5b: {  	_ = 	snop  }
0x5c: {  	[hbm4b:s5+s2] =	stream.indirect_vreg.scatter [tilespmem:s9], [sflag:$0x1], $0x80, v3, vm0, $0xb8;
	[tilespmem:$0x10100] =	vst v63  }
0x5d: {  	_ = 	snop  }
0x5e: {  	[hbm4b:s6+s2] =	stream.indirect_vreg.scatter [tilespmem:s19], [sflag:$0x1], $0x80, v3, vm0, $0xb8;
	[tilespmem:$0x10100] =	vst v63  }
0x5f: {  	v3 =	vld [tilespmem:$0x30];
	_ =	sdelay $0x4  }
0x60: {  	v59 =	vshll.u32 v3, $0x3  }
0x61: {  	v3 =	vand.u32 $0x7, v3;
	v4 =	vand.u32 $0xFFFFFFC0, v59  }
0x62: {  	v3 =	vor.u32 v3, v4  }
0x63: {  	v4 =	vperm.xlane v3, v0;
	_ =	sdelay $0x1  }
0x64: {  	v4 =	vadd.s32 v1, v4;
	_ =	sdelay $0x3  }
0x65: {  	s0 =	simm.s32 $0xC100  }
0x66: {  	[hbm4b:s3+s2] =	stream.indirect_vreg.scatter [tilespmem:s0], [sflag:$0x1], $0x80, v4, vm0, $0xb8;
	[tilespmem:$0x10100] =	vst v63  }
0x67: {  	v3 =	vperm.xlane v3, v2;
	s0 =	simm.s32 $0xC900  }
0x68: {  	[hbm4b:s4+s2] =	stream.indirect_vreg.scatter [tilespmem:s0], [sflag:$0x1], $0x80, v4, vm0, $0xb8;
	[tilespmem:$0x10100] =	vst v63  }
0x69: {  	v3 =	vadd.s32 v1, v3;
	s0 =	simm.s32 $0xD100  }
0x6a: {  	[hbm4b:s5+s2] =	stream.indirect_vreg.scatter [tilespmem:s0], [sflag:$0x1], $0x80, v4, vm0, $0xb8;
	[tilespmem:$0x10100] =	vst v63  }
0x6b: {  	s0 =	simm.s32 $0xD900  }
0x6c: {  	[hbm4b:s6+s2] =	stream.indirect_vreg.scatter [tilespmem:s0], [sflag:$0x1], $0x80, v4, vm0, $0xb8;
	[tilespmem:$0x10100] =	vst v63  }
0x6d: {  	s0 =	simm.s32 $0xE100  }
0x6e: {  	[hbm4b:s3+s2] =	stream.indirect_vreg.scatter [tilespmem:s0], [sflag:$0x1], $0x80, v3, vm0, $0xb8;
	[tilespmem:$0x10100] =	vst v63  }
0x6f: {  	s0 =	simm.s32 $0xE900  }
0x70: {  	[hbm4b:s4+s2] =	stream.indirect_vreg.scatter [tilespmem:s0], [sflag:$0x1], $0x80, v3, vm0, $0xb8;
	[tilespmem:$0x10100] =	vst v63  }
0x71: {  	s0 =	simm.s32 $0xF100  }
0x72: {  	[hbm4b:s5+s2] =	stream.indirect_vreg.scatter [tilespmem:s0], [sflag:$0x1], $0x80, v3, vm0, $0xb8;
	[tilespmem:$0x10100] =	vst v63  }
0x73: {  	s0 =	simm.s32 $0xF900  }
0x74: {  	[hbm4b:s6+s2] =	stream.indirect_vreg.scatter [tilespmem:s0], [sflag:$0x1], $0x80, v3, vm0, $0xb8;
	[tilespmem:$0x10100] =	vst v63  }
0x75: {  	v3 =	vld [tilespmem:$0x80];
	_ =	sdelay $0x4  }
0x76: {  	v60 =	vshll.u32 v3, $0x3  }
0x77: {  	v3 =	vand.u32 $0x7, v3;
	v4 =	vand.u32 $0xFFFFFFC0, v60  }
0x78: {  	v3 =	vor.u32 v3, v4  }
0x79: {  	v4 =	vperm.xlane v3, v0;
	_ =	sdelay $0x1  }
0x7a: {  	v4 =	vadd.s32 v1, v4;
	_ =	sdelay $0x4  }
0x7b: {  	[hbm4b:s3+s2] =	stream.indirect_vreg.scatter [tilespmem:s18], [sflag:$0x2], $0x80, v4, vm0, $0xb8;
	[tilespmem:$0x10100] =	vst v63  }
0x7c: {  	v3 =	vperm.xlane v3, v2  }
0x7d: {  	[hbm4b:s4+s2] =	stream.indirect_vreg.scatter [tilespmem:s20], [sflag:$0x2], $0x80, v4, vm0, $0xb8;
	[tilespmem:$0x10100] =	vst v63  }
0x7e: {  	v3 =	vadd.s32 v1, v3  }
0x7f: {  	[hbm4b:s5+s2] =	stream.indirect_vreg.scatter [tilespmem:s21], [sflag:$0x2], $0x80, v4, vm0, $0xb8;
	[tilespmem:$0x10100] =	vst v63  }
0x80: {  	_ = 	snop  }
0x81: {  	[hbm4b:s6+s2] =	stream.indirect_vreg.scatter [tilespmem:s22], [sflag:$0x2], $0x80, v4, vm0, $0xb8;
	[tilespmem:$0x10100] =	vst v63  }
0x82: {  	_ = 	snop  }
0x83: {  	[hbm4b:s3+s2] =	stream.indirect_vreg.scatter [tilespmem:s23], [sflag:$0x2], $0x80, v3, vm0, $0xb8;
	[tilespmem:$0x10100] =	vst v63  }
0x84: {  	_ = 	snop  }
0x85: {  	[hbm4b:s4+s2] =	stream.indirect_vreg.scatter [tilespmem:s24], [sflag:$0x2], $0x80, v3, vm0, $0xb8;
	[tilespmem:$0x10100] =	vst v63  }
0x86: {  	_ = 	snop  }
0x87: {  	[hbm4b:s5+s2] =	stream.indirect_vreg.scatter [tilespmem:s25], [sflag:$0x2], $0x80, v3, vm0, $0xb8;
	[tilespmem:$0x10100] =	vst v63  }
0x88: {  	_ = 	snop  }
0x89: {  	[hbm4b:s6+s2] =	stream.indirect_vreg.scatter [tilespmem:s26], [sflag:$0x2], $0x80, v3, vm0, $0xb8;
	[tilespmem:$0x10100] =	vst v63  }
0x8a: {  	v3 =	vld [tilespmem:$0x90];
	_ =	sdelay $0x4  }
0x8b: {  	v61 =	vshll.u32 v3, $0x3  }
0x8c: {  	v3 =	vand.u32 $0x7, v3;
	v4 =	vand.u32 $0xFFFFFFC0, v61  }
0x8d: {  	v3 =	vor.u32 v3, v4  }
0x8e: {  	v4 =	vperm.xlane v3, v0;
	_ =	sdelay $0x1  }
0x8f: {  	v4 =	vadd.s32 v1, v4;
	_ =	sdelay $0x4  }
0x90: {  	[hbm4b:s3+s2] =	stream.indirect_vreg.scatter [tilespmem:s28], [sflag:$0x2], $0x80, v4, vm0, $0xb8;
	[tilespmem:$0x10100] =	vst v63  }
0x91: {  	v3 =	vperm.xlane v3, v2  }
0x92: {  	[hbm4b:s4+s2] =	stream.indirect_vreg.scatter [tilespmem:s29], [sflag:$0x2], $0x80, v4, vm0, $0xb8;
	[tilespmem:$0x10100] =	vst v63  }
0x93: {  	v3 =	vadd.s32 v1, v3  }
0x94: {  	[hbm4b:s5+s2] =	stream.indirect_vreg.scatter [tilespmem:s30], [sflag:$0x2], $0x80, v4, vm0, $0xb8;
	[tilespmem:$0x10100] =	vst v63  }
0x95: {  	_ = 	snop  }
0x96: {  	[hbm4b:s6+s2] =	stream.indirect_vreg.scatter [tilespmem:s31], [sflag:$0x2], $0x80, v4, vm0, $0xb8;
	[tilespmem:$0x10100] =	vst v63  }
0x97: {  	_ = 	snop  }
0x98: {  	[hbm4b:s3+s2] =	stream.indirect_vreg.scatter [tilespmem:s1], [sflag:$0x2], $0x80, v3, vm0, $0xb8;
	[tilespmem:$0x10100] =	vst v63  }
0x99: {  	s20 =	simm.s32 $0x6900  }
0x9a: {  	[hbm4b:s4+s2] =	stream.indirect_vreg.scatter [tilespmem:s20], [sflag:$0x2], $0x80, v3, vm0, $0xb8;
	[tilespmem:$0x10100] =	vst v63  }
0x9b: {  	_ = 	snop  }
0x9c: {  	[hbm4b:s5+s2] =	stream.indirect_vreg.scatter [tilespmem:s10], [sflag:$0x2], $0x80, v3, vm0, $0xb8;
	[tilespmem:$0x10100] =	vst v63  }
0x9d: {  	_ = 	snop  }
0x9e: {  	[hbm4b:s6+s2] =	stream.indirect_vreg.scatter [tilespmem:s11], [sflag:$0x2], $0x80, v3, vm0, $0xb8;
	[tilespmem:$0x10100] =	vst v63  }
0x9f: {  	v3 =	vld [tilespmem:$0xA0];
	_ =	sdelay $0x4  }
0xa0: {  	v62 =	vshll.u32 v3, $0x3  }
0xa1: {  	v3 =	vand.u32 $0x7, v3;
	v4 =	vand.u32 $0xFFFFFFC0, v62  }
0xa2: {  	v3 =	vor.u32 v3, v4  }
0xa3: {  	v4 =	vperm.xlane v3, v0;
	_ =	sdelay $0x1  }
0xa4: {  	v4 =	vadd.s32 v1, v4;
	_ =	sdelay $0x4  }
0xa5: {  	[hbm4b:s3+s2] =	stream.indirect_vreg.scatter [tilespmem:s12], [sflag:$0x2], $0x80, v4, vm0, $0xb8;
	[tilespmem:$0x10100] =	vst v63  }
0xa6: {  	v3 =	vperm.xlane v3, v2  }
0xa7: {  	[hbm4b:s4+s2] =	stream.indirect_vreg.scatter [tilespmem:s13], [sflag:$0x2], $0x80, v4, vm0, $0xb8;
	[tilespmem:$0x10100] =	vst v63  }
0xa8: {  	v3 =	vadd.s32 v1, v3  }
0xa9: {  	[hbm4b:s5+s2] =	stream.indirect_vreg.scatter [tilespmem:s14], [sflag:$0x2], $0x80, v4, vm0, $0xb8;
	[tilespmem:$0x10100] =	vst v63  }
0xaa: {  	_ = 	snop  }
0xab: {  	[hbm4b:s6+s2] =	stream.indirect_vreg.scatter [tilespmem:s15], [sflag:$0x2], $0x80, v4, vm0, $0xb8;
	[tilespmem:$0x10100] =	vst v63  }
0xac: {  	_ = 	snop  }
0xad: {  	[hbm4b:s3+s2] =	stream.indirect_vreg.scatter [tilespmem:s16], [sflag:$0x2], $0x80, v3, vm0, $0xb8;
	[tilespmem:$0x10100] =	vst v63  }
0xae: {  	_ = 	snop  }
0xaf: {  	[hbm4b:s4+s2] =	stream.indirect_vreg.scatter [tilespmem:s17], [sflag:$0x2], $0x80, v3, vm0, $0xb8;
	[tilespmem:$0x10100] =	vst v63  }
0xb0: {  	_ = 	snop  }
0xb1: {  	[hbm4b:s5+s2] =	stream.indirect_vreg.scatter [tilespmem:s9], [sflag:$0x2], $0x80, v3, vm0, $0xb8;
	[tilespmem:$0x10100] =	vst v63  }
0xb2: {  	_ = 	snop  }
0xb3: {  	[hbm4b:s6+s2] =	stream.indirect_vreg.scatter [tilespmem:s19], [sflag:$0x2], $0x80, v3, vm0, $0xb8;
	[tilespmem:$0x10100] =	vst v63  }
0xb4: {  	v3 =	vld [tilespmem:$0xB0];
	_ =	sdelay $0x4  }
0xb5: {  	v63 =	vshll.u32 v3, $0x3  }
0xb6: {  	v3 =	vand.u32 $0x7, v3;
	v4 =	vand.u32 $0xFFFFFFC0, v63  }
0xb7: {  	v3 =	vor.u32 v3, v4  }
0xb8: {  	v4 =	vperm.xlane v3, v0;
	_ =	sdelay $0x1  }
0xb9: {  	v4 =	vadd.s32 v1, v4;
	_ =	sdelay $0x3  }
0xba: {  	s21 =	simm.s32 $0xC100  }
0xbb: {  	[hbm4b:s3+s2] =	stream.indirect_vreg.scatter [tilespmem:s21], [sflag:$0x2], $0x80, v4, vm0, $0xb8;
	[tilespmem:$0x10100] =	vst v63  }
0xbc: {  	s20 =	simm.s32 $0xC900;
	v3 =	vperm.xlane v3, v2  }
0xbd: {  	[hbm4b:s4+s2] =	stream.indirect_vreg.scatter [tilespmem:s20], [sflag:$0x2], $0x80, v4, vm0, $0xb8;
	[tilespmem:$0x10100] =	vst v63  }
0xbe: {  	v3 =	vadd.s32 v1, v3;
	s21 =	simm.s32 $0xD100  }
0xbf: {  	[hbm4b:s5+s2] =	stream.indirect_vreg.scatter [tilespmem:s21], [sflag:$0x2], $0x80, v4, vm0, $0xb8;
	[tilespmem:$0x10100] =	vst v63  }
0xc0: {  	s20 =	simm.s32 $0xD900  }
0xc1: {  	[hbm4b:s6+s2] =	stream.indirect_vreg.scatter [tilespmem:s20], [sflag:$0x2], $0x80, v4, vm0, $0xb8;
	[tilespmem:$0x10100] =	vst v63  }
0xc2: {  	s21 =	simm.s32 $0xE100  }
0xc3: {  	[hbm4b:s3+s2] =	stream.indirect_vreg.scatter [tilespmem:s21], [sflag:$0x2], $0x80, v3, vm0, $0xb8;
	[tilespmem:$0x10100] =	vst v63  }
0xc4: {  	s20 =	simm.s32 $0xE900  }
0xc5: {  	[hbm4b:s4+s2] =	stream.indirect_vreg.scatter [tilespmem:s20], [sflag:$0x2], $0x80, v3, vm0, $0xb8;
	[tilespmem:$0x10100] =	vst v63  }
0xc6: {  	s21 =	simm.s32 $0xF100  }
0xc7: {  	[hbm4b:s5+s2] =	stream.indirect_vreg.scatter [tilespmem:s21], [sflag:$0x2], $0x80, v3, vm0, $0xb8;
	[tilespmem:$0x10100] =	vst v63  }
0xc8: {  	s20 =	simm.s32 $0x1  }
0xc9: {  	[hbm4b:s6+s2] =	stream.indirect_vreg.scatter [tilespmem:s0], [sflag:$0x2], $0x80, v3, vm0, $0xb8;
	[tilespmem:$0x10100] =	vst v63  }
0xca: {  	p0 =	sne.s32 s7, $0x1;
	_ =	swait.ge [sflag:s20], $0x10000  }
.Ltmp0:
0xcb: {  	[sflag:s20] =	ssyncset.done $0x0;
	(pc) =	sbr.rel @p0 .LBB2_1-.Ltmp0, $4  }
0xcc: {  	s21 =	simm.s32 $0x2;
	[sflag:s20] =	ssyncadd.s32 $0xFFFF0000  }
0xcd: {  	_ =	swait.ge [sflag:s21], $0x10000  }
0xce: {  	[sflag:s21] =	ssyncset.done $0x0  }
0xcf: {  	s7 =	sadd.s32 $0xFFFFFFFF, s7;
	[sflag:s21] =	ssyncadd.s32 $0xFFFF0000  }
0xd0: {  	_ =	sfence.sel $0x180000  }
0xd1: {  	[bflag:$0x0] =	sbarrier.arrive $0xFFFF  }
0xd2: {  	_ =	strace $0x90000047  }
0xd3: {  	s0 =	stileid.u32;
	[bflag:$0x2] =	sbarrier.arrive $0xFFFF  }
0xd4: {  	p0 =	sne.s32 s0, $0x0;
	s0 =	rddreg [dreg:$0x2]  }
0xd5: {  	s0 =	sadd.s32 @!p0 $0x100000, s0  }
0xd6: {  	[sflag:s0] =	ssyncadd.tile.s32 @!p0 $0x1;
	_ =	shalt  }
.Lfunc_end2:
_tile_overlayer_lowered:
.L_overlay_start_2:
0xd7: {  	(tag) =	ssettag $0x2  }
0xd8: {  	s0 =	rddreg [dreg:$0x0];
	s2 =	stileid.u32  }
0xd9: {  	s1 =	rddreg [dreg:$0x1];
	p0 =	sne.s32 s2, $0x0  }
0xda: {  	s3 =	rddreg [dreg:$0x2];
	[bflag:$0x3] =	sbarrier.arrive $0xFFFF;
	s2 =	simm.s32 @!p0 $0x1C03  }
0xdb: {  	[timem:s3], [sflag:s2] =	dma.local @!p0 [hbm:s0], s1  }
0xdc: {  	s0 =	simm.s32 @!p0 $0x3  }
0xdd: {  	_ =	swait.ge @!p0 [sflag:s0], s1  }
0xde: {  	s1 =	ssub.s32 @!p0 $0x0, s1;
	[sflag:s0] =	ssyncset.done @!p0 $0x0  }
0xdf: {  	[sflag:s0] =	ssyncadd.s32 @!p0 s1  }
0xe0: {  	[bflag:$0x3] =	sbarrier.arrive $0xFFFF  }
0xe1: {  	_ =	shalt  }

</sc_bundles>
